<compile_context>
chip_gen: v7x
topology: tpu7x:2x2x1
jax: 0.10.2.dev20260603
libtpu: 0.0.44.dev20260713+nightly
codegen_flags: <defaults>
</compile_context>

<pallas_src>
import functools

import jax
import jax.numpy as jnp
from jax import lax
from jax.experimental import pallas as pl
from jax.experimental.pallas import tpu as pltpu
from jax.experimental.pallas import tpu_sc as plsc

N = 10000
E = 320000
D = 128
H = 256
C = 10
G = 128

NC = 2
NS = 16
LANES = 16

K = 128
EP = 327680
CHUNKS = EP // K
NP = 10240
RPT = NP // NS
DUMP = NP - 1

_mesh = functools.partial(plsc.VectorSubcoreMesh,
                          core_axis_name="c", subcore_axis_name="s")


def _sc_aggregate(table0, table1, src2d, dst2d, zsrc, *, edge_split,
                  gather=True):
    if edge_split:
        cpt = CHUNKS // (NC * NS)

        def tile_c0(cid, sid):
            return (cid * NS + sid) * cpt
    else:
        cpt = CHUNKS // NS

        def tile_c0(cid, sid):
            del cid
            return sid * cpt

    @functools.partial(
        pl.kernel, mesh=_mesh(),
        out_type=jax.ShapeDtypeStruct((NC, NP, D), jnp.float32),
        scratch_types=[
            pltpu.VMEM((K,), jnp.int32),
            pltpu.VMEM((K,), jnp.int32),
            pltpu.VMEM((K,), jnp.int32),
            pltpu.VMEM((K,), jnp.int32),
            pltpu.VMEM((K, D), jnp.float32),
            pltpu.VMEM((K, D), jnp.float32),
            pltpu.VMEM_SHARED((NP, D), jnp.float32),
            pltpu.SemaphoreType.DMA,
            pltpu.SemaphoreType.DMA,
            pltpu.SemaphoreType.DMA,
            pltpu.SemaphoreType.DMA,
            pltpu.SemaphoreType.DMA,
            pltpu.SemaphoreType.DMA,
            pltpu.SemaphoreType.DMA,
            pltpu.SemaphoreType.DMA,
        ],
    )
    def k(t0_hbm, t1_hbm, src_hbm, dst_hbm, z_hbm, out_hbm,
          sidx0, didx0, sidx1, didx1, rows0, rows1, acc,
          is0, id0, is1, id1, g0, g1, s0, s1):
        cid = lax.axis_index("c")
        sid = lax.axis_index("s")
        pltpu.sync_copy(z_hbm, acc.at[pl.ds(sid * RPT, RPT)])
        plsc.subcore_barrier()
        c0 = tile_c0(cid, sid)

        sl = ((sidx0, didx0, rows0, is0, id0, g0, s0),
              (sidx1, didx1, rows1, is1, id1, g1, s1))

        def istart(c, s):
            si, di, _, isem, idsem, _, _ = sl[s]
            pltpu.make_async_copy(
                src_hbm.at[pl.ds((c0 + c) * K, K)], si, isem).start()
            pltpu.make_async_copy(
                dst_hbm.at[pl.ds((c0 + c) * K, K)], di, idsem).start()

        def iwait(s):
            si, di, _, isem, idsem, _, _ = sl[s]
            pltpu.make_async_copy(src_hbm.at[pl.ds(0, K)], si, isem).wait()
            pltpu.make_async_copy(dst_hbm.at[pl.ds(0, K)], di, idsem).wait()

        def gstart(s):
            si, _, rw, _, _, gsem, _ = sl[s]

            @pl.when(cid == 0)
            def _():
                pltpu.make_async_copy(t0_hbm.at[si], rw, gsem).start()

            @pl.when(cid == 1)
            def _():
                pltpu.make_async_copy(t1_hbm.at[si], rw, gsem).start()

        def gwait_scatter(s):
            _, di, rw, _, _, gsem, ssem = sl[s]
            del ssem
            pltpu.make_async_copy(t0_hbm.at[di], rw, gsem).wait()
            pltpu.sync_copy(rw, acc.at[di], add=True)

        def dstart(c, s):
            _, di, _, _, idsem, _, _ = sl[s]
            pltpu.make_async_copy(
                dst_hbm.at[pl.ds((c0 + c) * K, K)], di, idsem).start()

        def dwait_scatter(s):
            _, di, _, _, idsem, _, _ = sl[s]
            pltpu.make_async_copy(dst_hbm.at[pl.ds(0, K)], di, idsem).wait()
            pltpu.sync_copy(rows0, acc.at[di], add=True)

        if gather:
            istart(0, 0)
            istart(1, 1)
            iwait(0)
            gstart(0)

            @pl.loop(0, cpt, step=2)
            def _(c):
                iwait(1)
                gstart(1)
                gwait_scatter(0)

                @pl.when(c + 2 < cpt)
                def _():
                    istart(c + 2, 0)

                gwait_scatter(1)

                @pl.when(c + 3 < cpt)
                def _():
                    istart(c + 3, 1)

                @pl.when(c + 2 < cpt)
                def _():
                    iwait(0)
                    gstart(0)
        else:
            pltpu.sync_copy(t0_hbm.at[pl.ds(0, K)], rows0)
            dstart(0, 0)
            dstart(1, 1)

            @pl.loop(0, cpt, step=2)
            def _(c):
                dwait_scatter(0)

                @pl.when(c + 2 < cpt)
                def _():
                    dstart(c + 2, 0)

                dwait_scatter(1)

                @pl.when(c + 3 < cpt)
                def _():
                    dstart(c + 3, 1)

        plsc.subcore_barrier()
        pltpu.sync_copy(acc.at[pl.ds(sid * RPT, RPT)],
                        out_hbm.at[cid].at[pl.ds(sid * RPT, RPT)])

    return k(table0, table1, src2d, dst2d, zsrc)


_HIGHEST = jax.lax.Precision.HIGHEST


def _dot(a, b):
    return jax.lax.dot_general(a, b, (((1,), (0,)), ((), ())),
                               precision=_HIGHEST,
                               preferred_element_type=jnp.float32)


def _tc_prescale(deg2, x):
    BLK = 2000

    def body(deg_ref, x_ref, dinv_ref, xs_ref):
        counts = deg_ref[0, :, :1] + deg_ref[1, :, :1]
        dv = jax.lax.rsqrt(counts + 1.0)
        dinv_ref[...] = dv
        xs_ref[...] = x_ref[...] * dv

    return pl.pallas_call(
        body,
        grid=(N // BLK,),
        in_specs=[pl.BlockSpec((NC, BLK, D), lambda i: (0, i, 0)),
                  pl.BlockSpec((BLK, D), lambda i: (i, 0))],
        out_specs=[pl.BlockSpec((BLK, 1), lambda i: (i, 0)),
                   pl.BlockSpec((BLK, D), lambda i: (i, 0))],
        out_shape=[jax.ShapeDtypeStruct((N, 1), jnp.float32),
                   jax.ShapeDtypeStruct((N, D), jnp.float32)],
    )(deg2, x)


def _tc_layer1(agg2, xs, dinv, W1, b1r):
    BLK = 1000

    def body(a_ref, xs_ref, dv_ref, w_ref, b_ref, lo_ref, hi_ref):
        dv = dv_ref[...]
        t = (a_ref[0] + a_ref[1] + xs_ref[...]) * dv
        h = jnp.maximum(_dot(t, w_ref[...]) + b_ref[...], 0.0)
        hs = h * dv
        lo_ref[...] = hs[:, :D]
        hi_ref[...] = hs[:, D:]

    return pl.pallas_call(
        body,
        grid=(N // BLK,),
        in_specs=[pl.BlockSpec((NC, BLK, D), lambda i: (0, i, 0)),
                  pl.BlockSpec((BLK, D), lambda i: (i, 0)),
                  pl.BlockSpec((BLK, 1), lambda i: (i, 0)),
                  pl.BlockSpec((D, H), lambda i: (0, 0)),
                  pl.BlockSpec((1, H), lambda i: (0, 0))],
        out_specs=[pl.BlockSpec((BLK, D), lambda i: (i, 0)),
                   pl.BlockSpec((BLK, D), lambda i: (i, 0))],
        out_shape=[jax.ShapeDtypeStruct((N, D), jnp.float32),
                   jax.ShapeDtypeStruct((N, D), jnp.float32)],
    )(agg2, xs, dinv, W1, b1r)


def _tc_final(agg4, h1lo, h1hi, dinv, batch2d, W2, b2r, Wf1, bf1r, Wf2, bf2r):
    BLK = 1000
    NBLK = N // BLK

    def body(a_ref, lo_ref, hi_ref, dv_ref, b_ref, w2_ref, b2_ref,
             wf1_ref, bf1_ref, wf2_ref, bf2_ref, out_ref, sums, cnts):
        i = pl.program_id(0)
        dv = dv_ref[...]
        tlo = (a_ref[0] + lo_ref[...]) * dv
        thi = (a_ref[1] + hi_ref[...]) * dv
        w2 = w2_ref[...]
        h2 = jnp.maximum(
            _dot(tlo, w2[:D, :]) + _dot(thi, w2[D:, :]) + b2_ref[...], 0.0)
        ids = jax.lax.broadcasted_iota(jnp.int32, (BLK, G), 1)
        oh = (b_ref[...] == ids).astype(jnp.float32)
        pooled_blk = jax.lax.dot_general(
            oh, h2, (((0,), (0,)), ((), ())),
            precision=_HIGHEST, preferred_element_type=jnp.float32)
        cnt_blk = jax.lax.dot_general(
            oh, jnp.ones((BLK, 1), jnp.float32), (((0,), (0,)), ((), ())),
            precision=_HIGHEST, preferred_element_type=jnp.float32)

        @pl.when(i == 0)
        def _():
            sums[...] = jnp.zeros_like(sums)
            cnts[...] = jnp.zeros_like(cnts)

        sums[...] += pooled_blk
        cnts[...] += cnt_blk

        @pl.when(i == NBLK - 1)
        def _():
            pooled = sums[...] / jnp.maximum(cnts[...], 1.0)
            h3 = jnp.maximum(_dot(pooled, wf1_ref[...]) + bf1_ref[...], 0.0)
            out_ref[...] = _dot(h3, wf2_ref[...]) + bf2_ref[...]

    return pl.pallas_call(
        body,
        grid=(NBLK,),
        in_specs=[pl.BlockSpec((NC, BLK, D), lambda i: (0, i, 0)),
                  pl.BlockSpec((BLK, D), lambda i: (i, 0)),
                  pl.BlockSpec((BLK, D), lambda i: (i, 0)),
                  pl.BlockSpec((BLK, 1), lambda i: (i, 0)),
                  pl.BlockSpec((BLK, 1), lambda i: (i, 0)),
                  pl.BlockSpec((H, H), lambda i: (0, 0)),
                  pl.BlockSpec((1, H), lambda i: (0, 0)),
                  pl.BlockSpec((H, H), lambda i: (0, 0)),
                  pl.BlockSpec((1, H), lambda i: (0, 0)),
                  pl.BlockSpec((H, C), lambda i: (0, 0)),
                  pl.BlockSpec((1, C), lambda i: (0, 0))],
        out_specs=pl.BlockSpec((G, C), lambda i: (0, 0)),
        out_shape=jax.ShapeDtypeStruct((G, C), jnp.float32),
        scratch_shapes=[pltpu.VMEM((G, H), jnp.float32),
                        pltpu.VMEM((G, 1), jnp.float32)],
    )(agg4, h1lo, h1hi, dinv, batch2d, W2, b2r, Wf1, bf1r, Wf2, bf2r)


def kernel(x, edge_index, batch, W1, b1, W2, b2, Wf1, bf1, Wf2, bf2):
    pad = EP - E
    src1d = jnp.concatenate([edge_index[0], jnp.zeros((pad,), jnp.int32)])
    dst1d = jnp.concatenate(
        [edge_index[1], jnp.full((pad,), DUMP, jnp.int32)])
    zsrc128 = jnp.zeros((RPT, D), jnp.float32)
    ones_nd = jnp.ones((N, D), jnp.float32)

    deg2 = _sc_aggregate(ones_nd, ones_nd, src1d, dst1d, zsrc128,
                         edge_split=True)
    dinv, xs = _tc_prescale(deg2, x)
    agg2 = _sc_aggregate(xs, xs, src1d, dst1d, zsrc128, edge_split=True)
    h1lo, h1hi = _tc_layer1(agg2, xs, dinv, W1, b1.reshape(1, H))
    agg4 = _sc_aggregate(h1lo, h1hi, src1d, dst1d, zsrc128,
                         edge_split=False)
    return _tc_final(agg4, h1lo, h1hi, dinv, batch.reshape(N, 1), W2,
                     b2.reshape(1, H), Wf1, bf1.reshape(1, H), Wf2,
                     bf2.reshape(1, C))

# --- scband reference (transcript-rebuilt; emitter-appended) ---
"""Pipeline reference for scband-gcnmodel-18330920419456 (READ-ONLY COPY).

The authoritative reference and input builder live on the scoring server;
editing this copy changes nothing except your own understanding.
"""

import jax, jax.numpy as jnp
import numpy as np

N = 10000
E = 320000
D = 128
H = 256
C = 10
G = 128


def gcn_conv(x, src, dst, W, b, n_nodes):
    # GCNConv with added self-loops and symmetric normalization:
    # out = D^{-1/2} (A + I) D^{-1/2} (x W) + b
    h = x @ W
    deg = jnp.zeros((n_nodes,), h.dtype).at[dst].add(1.0) + 1.0  # +1 for self loop
    dinv = jnp.where(deg > 0, 1.0 / jnp.sqrt(deg), 0.0)
    norm = dinv[src] * dinv[dst]
    msg = h[src] * norm[:, None]
    agg = jnp.zeros_like(h).at[dst].add(msg)
    agg = agg + h * (dinv * dinv)[:, None]  # self-loop messages
    return agg + b


def setup_inputs(seed: int = 0) -> dict:
    key = jax.random.key(seed)
    ks = jax.random.split(key, 12)
    x = jax.random.normal(ks[0], (N, D), dtype=jnp.float32)
    edge_index = jax.random.randint(ks[1], (2, E), 0, N, dtype=jnp.int32)
    batch = jnp.sort(jax.random.randint(ks[2], (N,), 0, G, dtype=jnp.int32))
    W1 = jax.random.normal(ks[3], (D, H), dtype=jnp.float32) / np.sqrt(D)
    b1 = jnp.zeros((H,), dtype=jnp.float32)
    W2 = jax.random.normal(ks[4], (H, H), dtype=jnp.float32) / np.sqrt(H)
    b2 = jnp.zeros((H,), dtype=jnp.float32)
    Wf1 = jax.random.normal(ks[5], (H, H), dtype=jnp.float32) / np.sqrt(H)
    bf1 = jnp.zeros((H,), dtype=jnp.float32)
    Wf2 = jax.random.normal(ks[6], (H, C), dtype=jnp.float32) / np.sqrt(H)
    bf2 = jnp.zeros((C,), dtype=jnp.float32)
    return {"x": x, "edge_index": edge_index, "batch": batch,
            "W1": W1, "b1": b1, "W2": W2, "b2": b2,
            "Wf1": Wf1, "bf1": bf1, "Wf2": Wf2, "bf2": bf2}


def reference(x, edge_index, batch, W1, b1, W2, b2, Wf1, bf1, Wf2, bf2):
    src = edge_index[0]
    dst = edge_index[1]
    h = jax.nn.relu(gcn_conv(x, src, dst, W1, b1, N))
    # dropout is identity in eval mode
    h = jax.nn.relu(gcn_conv(h, src, dst, W2, b2, N))
    # global_mean_pool over batch segments
    sums = jax.ops.segment_sum(h, batch, num_segments=G)
    counts = jax.ops.segment_sum(jnp.ones((N, 1), h.dtype), batch, num_segments=G)
    pooled = sums / jnp.maximum(counts, 1.0)
    h = jax.nn.relu(pooled @ Wf1 + bf1)
    out = h @ Wf2 + bf2
    return out

if __name__ == "__main__":
    import jax
    _d = setup_inputs()
    print(jax.jit(kernel)(*tuple(_d.values())))

</pallas_src>

<mosaic_0001>
#map = affine_map<(d0, d1) -> (0, 0)>
#map1 = affine_map<(d0, d1) -> (0)>
#map2 = affine_map<(d0, d1) -> (0, 0, 0)>
module attributes {stable_mosaic.version = 14 : i64} {
  func.func @k(%arg0: i32, %arg1: i32, %arg2: memref<10000x128xf32, #tpu.memory_space<hbm>>, %arg3: memref<10000x128xf32, #tpu.memory_space<hbm>>, %arg4: memref<327680xi32, #tpu.memory_space<hbm>>, %arg5: memref<327680xi32, #tpu.memory_space<hbm>>, %arg6: memref<640x128xf32, #tpu.memory_space<hbm>>, %arg7: memref<2x10240x128xf32, #tpu.memory_space<hbm>>, %arg8: memref<128xi32, #tpu.memory_space<vmem>>, %arg9: memref<128xi32, #tpu.memory_space<vmem>>, %arg10: memref<128xi32, #tpu.memory_space<vmem>>, %arg11: memref<128xi32, #tpu.memory_space<vmem>>, %arg12: memref<128x128xf32, #tpu.memory_space<vmem>>, %arg13: memref<128x128xf32, #tpu.memory_space<vmem>>, %arg14: memref<10240x128xf32, #tpu.memory_space<vmem_shared>>, %arg15: memref<!tpu.dma_semaphore, #tpu.memory_space<semaphore_mem>>, %arg16: memref<!tpu.dma_semaphore, #tpu.memory_space<semaphore_mem>>, %arg17: memref<!tpu.dma_semaphore, #tpu.memory_space<semaphore_mem>>, %arg18: memref<!tpu.dma_semaphore, #tpu.memory_space<semaphore_mem>>, %arg19: memref<!tpu.dma_semaphore, #tpu.memory_space<semaphore_mem>>, %arg20: memref<!tpu.dma_semaphore, #tpu.memory_space<semaphore_mem>>, %arg21: memref<!tpu.dma_semaphore, #tpu.memory_space<semaphore_mem>>, %arg22: memref<!tpu.dma_semaphore, #tpu.memory_space<semaphore_mem>>) attributes {dimension_semantics = [#tpu.dimension_semantics<core_parallel>, #tpu.dimension_semantics<subcore_parallel>], iteration_bounds = array<i64: 2, 16>, scalar_prefetch = 0 : i64, scratch_operands = 15 : i64, tpu.core_type = #tpu.core_type<sc_vector_subcore>, window_params = [{transform_indices = #map}, {transform_indices = #map}, {transform_indices = #map1}, {transform_indices = #map1}, {transform_indices = #map}, {transform_indices = #map2}]} {
    %mul3A = arith.constant 640 : i32
    %mul3A_0 = arith.muli %arg1, %mul3A : i32
    "tpu.region"() ({
      %run_scoped3A = tpu.sem_alloc : memref<!tpu.dma_semaphore, #tpu.memory_space<semaphore_mem>>
      %dma_start3A_48 = arith.constant 0 : i32
      %dma_start3A_49 = tpu.memref_slice %arg14[%mul3A_0, %dma_start3A_48] : memref<10240x128xf32, #tpu.memory_space<vmem_shared>> -> memref<640x128xf32, #tpu.memory_space<vmem_shared>>
      tpu.enqueue_dma source(%arg6 : memref<640x128xf32, #tpu.memory_space<hbm>>) target(%dma_start3A_49 : memref<640x128xf32, #tpu.memory_space<vmem_shared>>) target_semaphore(%run_scoped3A : memref<!tpu.dma_semaphore, #tpu.memory_space<semaphore_mem>>)
      %dma_wait3A_50 = arith.constant 0 : i32
      %dma_wait3A_51 = tpu.memref_slice %arg14[%mul3A_0, %dma_wait3A_50] : memref<10240x128xf32, #tpu.memory_space<vmem_shared>> -> memref<640x128xf32, #tpu.memory_space<vmem_shared>>
      tpu.wait_dma2 semaphore(%run_scoped3A : memref<!tpu.dma_semaphore, #tpu.memory_space<semaphore_mem>>) src(%arg6 : memref<640x128xf32, #tpu.memory_space<hbm>>) dst(%dma_wait3A_51 : memref<640x128xf32, #tpu.memory_space<vmem_shared>>)
      tpu.yield
    }) : () -> ()
    %barrier3A = arith.constant 0 : index
    tpu.barrier barrier_id(%barrier3A)
    %mul3A_1 = arith.constant 160 : i32
    %mul3A_2 = arith.muli %arg1, %mul3A_1 : i32
    %add3A = arith.constant 0 : i32
    %add3A_3 = arith.addi %mul3A_2, %add3A : i32
    %mul3A_4 = arith.constant 128 : i32
    %mul3A_5 = arith.muli %add3A_3, %mul3A_4 : i32
    %dma_start3A = tpu.memref_slice %arg4[%mul3A_5] : memref<327680xi32, #tpu.memory_space<hbm>> -> memref<128xi32, #tpu.memory_space<hbm>>
    %dma_start3A_6 = tpu.memref_slice %arg4[%mul3A_5] : memref<327680xi32, #tpu.memory_space<hbm>> -> memref<128xi32, #tpu.memory_space<hbm>>
    tpu.enqueue_dma source(%dma_start3A_6 : memref<128xi32, #tpu.memory_space<hbm>>) target(%arg8 : memref<128xi32, #tpu.memory_space<vmem>>) target_semaphore(%arg15 : memref<!tpu.dma_semaphore, #tpu.memory_space<semaphore_mem>>)
    %add3A_7 = arith.constant 0 : i32
    %add3A_8 = arith.addi %mul3A_2, %add3A_7 : i32
    %mul3A_9 = arith.constant 128 : i32
    %mul3A_10 = arith.muli %add3A_8, %mul3A_9 : i32
    %dma_start3A_11 = tpu.memref_slice %arg5[%mul3A_10] : memref<327680xi32, #tpu.memory_space<hbm>> -> memref<128xi32, #tpu.memory_space<hbm>>
    %dma_start3A_12 = tpu.memref_slice %arg5[%mul3A_10] : memref<327680xi32, #tpu.memory_space<hbm>> -> memref<128xi32, #tpu.memory_space<hbm>>
    tpu.enqueue_dma source(%dma_start3A_12 : memref<128xi32, #tpu.memory_space<hbm>>) target(%arg9 : memref<128xi32, #tpu.memory_space<vmem>>) target_semaphore(%arg16 : memref<!tpu.dma_semaphore, #tpu.memory_space<semaphore_mem>>)
    %add3A_13 = arith.constant 1 : i32
    %add3A_14 = arith.addi %mul3A_2, %add3A_13 : i32
    %mul3A_15 = arith.constant 128 : i32
    %mul3A_16 = arith.muli %add3A_14, %mul3A_15 : i32
    %dma_start3A_17 = tpu.memref_slice %arg4[%mul3A_16] : memref<327680xi32, #tpu.memory_space<hbm>> -> memref<128xi32, #tpu.memory_space<hbm>>
    %dma_start3A_18 = tpu.memref_slice %arg4[%mul3A_16] : memref<327680xi32, #tpu.memory_space<hbm>> -> memref<128xi32, #tpu.memory_space<hbm>>
    tpu.enqueue_dma source(%dma_start3A_18 : memref<128xi32, #tpu.memory_space<hbm>>) target(%arg10 : memref<128xi32, #tpu.memory_space<vmem>>) target_semaphore(%arg17 : memref<!tpu.dma_semaphore, #tpu.memory_space<semaphore_mem>>)
    %add3A_19 = arith.constant 1 : i32
    %add3A_20 = arith.addi %mul3A_2, %add3A_19 : i32
    %mul3A_21 = arith.constant 128 : i32
    %mul3A_22 = arith.muli %add3A_20, %mul3A_21 : i32
    %dma_start3A_23 = tpu.memref_slice %arg5[%mul3A_22] : memref<327680xi32, #tpu.memory_space<hbm>> -> memref<128xi32, #tpu.memory_space<hbm>>
    %dma_start3A_24 = tpu.memref_slice %arg5[%mul3A_22] : memref<327680xi32, #tpu.memory_space<hbm>> -> memref<128xi32, #tpu.memory_space<hbm>>
    tpu.enqueue_dma source(%dma_start3A_24 : memref<128xi32, #tpu.memory_space<hbm>>) target(%arg11 : memref<128xi32, #tpu.memory_space<vmem>>) target_semaphore(%arg18 : memref<!tpu.dma_semaphore, #tpu.memory_space<semaphore_mem>>)
    %dma_wait3A = arith.constant 0 : i32
    %dma_wait3A_25 = tpu.memref_slice %arg4[%dma_wait3A] : memref<327680xi32, #tpu.memory_space<hbm>> -> memref<128xi32, #tpu.memory_space<hbm>>
    %dma_wait3A_26 = arith.constant 0 : i32
    %dma_wait3A_27 = tpu.memref_slice %arg4[%dma_wait3A_26] : memref<327680xi32, #tpu.memory_space<hbm>> -> memref<128xi32, #tpu.memory_space<hbm>>
    tpu.wait_dma2 semaphore(%arg15 : memref<!tpu.dma_semaphore, #tpu.memory_space<semaphore_mem>>) src(%dma_wait3A_27 : memref<128xi32, #tpu.memory_space<hbm>>) dst(%arg8 : memref<128xi32, #tpu.memory_space<vmem>>)
    %dma_wait3A_28 = arith.constant 0 : i32
    %dma_wait3A_29 = tpu.memref_slice %arg5[%dma_wait3A_28] : memref<327680xi32, #tpu.memory_space<hbm>> -> memref<128xi32, #tpu.memory_space<hbm>>
    %dma_wait3A_30 = arith.constant 0 : i32
    %dma_wait3A_31 = tpu.memref_slice %arg5[%dma_wait3A_30] : memref<327680xi32, #tpu.memory_space<hbm>> -> memref<128xi32, #tpu.memory_space<hbm>>
    tpu.wait_dma2 semaphore(%arg16 : memref<!tpu.dma_semaphore, #tpu.memory_space<semaphore_mem>>) src(%dma_wait3A_31 : memref<128xi32, #tpu.memory_space<hbm>>) dst(%arg9 : memref<128xi32, #tpu.memory_space<vmem>>)
    %eq3A = arith.constant 0 : i32
    %eq3A_32 = arith.cmpi eq, %arg0, %eq3A : i32
    %convert_element_type3A = arith.extui %eq3A_32 : i1 to i32
    %cond3A = arith.constant 0 : i32
    %cond3A_33 = arith.cmpi ne, %convert_element_type3A, %cond3A : i32
    scf.if %cond3A_33 {
      %dma_start3A_48 = arith.constant 0 : i32
      %dma_start3A_49 = arith.constant 0 : i32
      %dma_start3A_50 = tpu.memref_slice %arg2[%dma_start3A_48, %dma_start3A_49] : memref<10000x128xf32, #tpu.memory_space<hbm>> -> memref<10000x128xf32, #tpu.memory_space<hbm>>
      tpu.enqueue_indirect_dma source(%dma_start3A_50 : memref<10000x128xf32, #tpu.memory_space<hbm>>) target(%arg12 : memref<128x128xf32, #tpu.memory_space<vmem>>) offsets(%arg8 : memref<128xi32, #tpu.memory_space<vmem>>) semaphore(%arg19 : memref<!tpu.dma_semaphore, #tpu.memory_space<semaphore_mem>>)
    } else {
    }
    %eq3A_34 = arith.constant 1 : i32
    %eq3A_35 = arith.cmpi eq, %arg0, %eq3A_34 : i32
    %convert_element_type3A_36 = arith.extui %eq3A_35 : i1 to i32
    %cond3A_37 = arith.constant 0 : i32
    %cond3A_38 = arith.cmpi ne, %convert_element_type3A_36, %cond3A_37 : i32
    scf.if %cond3A_38 {
      %dma_start3A_48 = arith.constant 0 : i32
      %dma_start3A_49 = arith.constant 0 : i32
      %dma_start3A_50 = tpu.memref_slice %arg3[%dma_start3A_48, %dma_start3A_49] : memref<10000x128xf32, #tpu.memory_space<hbm>> -> memref<10000x128xf32, #tpu.memory_space<hbm>>
      tpu.enqueue_indirect_dma source(%dma_start3A_50 : memref<10000x128xf32, #tpu.memory_space<hbm>>) target(%arg12 : memref<128x128xf32, #tpu.memory_space<vmem>>) offsets(%arg8 : memref<128xi32, #tpu.memory_space<vmem>>) semaphore(%arg19 : memref<!tpu.dma_semaphore, #tpu.memory_space<semaphore_mem>>)
    } else {
    }
    %scan3A = arith.constant 0 : i32
    %scan3A_39 = arith.constant 80 : i32
    %scan3A_40 = arith.addi %scan3A, %scan3A_39 : i32
    %scan3A_41 = arith.constant 1 : i32
    scf.for %scan3A_48 = %scan3A to %scan3A_40 step %scan3A_41  : i32 {
      %mul3A_49 = arith.constant 2 : i32
      %mul3A_50 = arith.muli %scan3A_48, %mul3A_49 : i32
      %add3A_51 = arith.constant 0 : i32
      %add3A_52 = arith.addi %add3A_51, %mul3A_50 : i32
      %dma_wait3A_53 = arith.constant 0 : i32
      %dma_wait3A_54 = tpu.memref_slice %arg4[%dma_wait3A_53] : memref<327680xi32, #tpu.memory_space<hbm>> -> memref<128xi32, #tpu.memory_space<hbm>>
      %dma_wait3A_55 = arith.constant 0 : i32
      %dma_wait3A_56 = tpu.memref_slice %arg4[%dma_wait3A_55] : memref<327680xi32, #tpu.memory_space<hbm>> -> memref<128xi32, #tpu.memory_space<hbm>>
      tpu.wait_dma2 semaphore(%arg17 : memref<!tpu.dma_semaphore, #tpu.memory_space<semaphore_mem>>) src(%dma_wait3A_56 : memref<128xi32, #tpu.memory_space<hbm>>) dst(%arg10 : memref<128xi32, #tpu.memory_space<vmem>>)
      %dma_wait3A_57 = arith.constant 0 : i32
      %dma_wait3A_58 = tpu.memref_slice %arg5[%dma_wait3A_57] : memref<327680xi32, #tpu.memory_space<hbm>> -> memref<128xi32, #tpu.memory_space<hbm>>
      %dma_wait3A_59 = arith.constant 0 : i32
      %dma_wait3A_60 = tpu.memref_slice %arg5[%dma_wait3A_59] : memref<327680xi32, #tpu.memory_space<hbm>> -> memref<128xi32, #tpu.memory_space<hbm>>
      tpu.wait_dma2 semaphore(%arg18 : memref<!tpu.dma_semaphore, #tpu.memory_space<semaphore_mem>>) src(%dma_wait3A_60 : memref<128xi32, #tpu.memory_space<hbm>>) dst(%arg11 : memref<128xi32, #tpu.memory_space<vmem>>)
      %eq3A_61 = arith.constant 0 : i32
      %eq3A_62 = arith.cmpi eq, %arg0, %eq3A_61 : i32
      %convert_element_type3A_63 = arith.extui %eq3A_62 : i1 to i32
      %cond3A_64 = arith.constant 0 : i32
      %cond3A_65 = arith.cmpi ne, %convert_element_type3A_63, %cond3A_64 : i32
      scf.if %cond3A_65 {
        %dma_start3A_97 = arith.constant 0 : i32
        %dma_start3A_98 = arith.constant 0 : i32
        %dma_start3A_99 = tpu.memref_slice %arg2[%dma_start3A_97, %dma_start3A_98] : memref<10000x128xf32, #tpu.memory_space<hbm>> -> memref<10000x128xf32, #tpu.memory_space<hbm>>
        tpu.enqueue_indirect_dma source(%dma_start3A_99 : memref<10000x128xf32, #tpu.memory_space<hbm>>) target(%arg13 : memref<128x128xf32, #tpu.memory_space<vmem>>) offsets(%arg10 : memref<128xi32, #tpu.memory_space<vmem>>) semaphore(%arg20 : memref<!tpu.dma_semaphore, #tpu.memory_space<semaphore_mem>>)
      } else {
      }
      %eq3A_66 = arith.constant 1 : i32
      %eq3A_67 = arith.cmpi eq, %arg0, %eq3A_66 : i32
      %convert_element_type3A_68 = arith.extui %eq3A_67 : i1 to i32
      %cond3A_69 = arith.constant 0 : i32
      %cond3A_70 = arith.cmpi ne, %convert_element_type3A_68, %cond3A_69 : i32
      scf.if %cond3A_70 {
        %dma_start3A_97 = arith.constant 0 : i32
        %dma_start3A_98 = arith.constant 0 : i32
        %dma_start3A_99 = tpu.memref_slice %arg3[%dma_start3A_97, %dma_start3A_98] : memref<10000x128xf32, #tpu.memory_space<hbm>> -> memref<10000x128xf32, #tpu.memory_space<hbm>>
        tpu.enqueue_indirect_dma source(%dma_start3A_99 : memref<10000x128xf32, #tpu.memory_space<hbm>>) target(%arg13 : memref<128x128xf32, #tpu.memory_space<vmem>>) offsets(%arg10 : memref<128xi32, #tpu.memory_space<vmem>>) semaphore(%arg20 : memref<!tpu.dma_semaphore, #tpu.memory_space<semaphore_mem>>)
      } else {
      }
      %dma_wait3A_71 = arith.constant 0 : i32
      %dma_wait3A_72 = arith.constant 0 : i32
      %dma_wait3A_73 = tpu.memref_slice %arg2[%dma_wait3A_71, %dma_wait3A_72] : memref<10000x128xf32, #tpu.memory_space<hbm>> -> memref<10000x128xf32, #tpu.memory_space<hbm>>
      tpu.wait_indirect_dma semaphore(%arg19 : memref<!tpu.dma_semaphore, #tpu.memory_space<semaphore_mem>>) src(%dma_wait3A_73 : memref<10000x128xf32, #tpu.memory_space<hbm>>) dst(%arg12 : memref<128x128xf32, #tpu.memory_space<vmem>>)
      "tpu.region"() ({
        %run_scoped3A = tpu.sem_alloc : memref<!tpu.dma_semaphore, #tpu.memory_space<semaphore_mem>>
        %dma_start3A_97 = arith.constant 0 : i32
        %dma_start3A_98 = arith.constant 0 : i32
        %dma_start3A_99 = tpu.memref_slice %arg14[%dma_start3A_97, %dma_start3A_98] : memref<10240x128xf32, #tpu.memory_space<vmem_shared>> -> memref<10240x128xf32, #tpu.memory_space<vmem_shared>>
        tpu.enqueue_indirect_dma source(%arg12 : memref<128x128xf32, #tpu.memory_space<vmem>>) target(%dma_start3A_99 : memref<10240x128xf32, #tpu.memory_space<vmem_shared>>) offsets(%arg9 : memref<128xi32, #tpu.memory_space<vmem>>) semaphore(%run_scoped3A : memref<!tpu.dma_semaphore, #tpu.memory_space<semaphore_mem>>) {add = true}
        %dma_wait3A_100 = arith.constant 0 : i32
        %dma_wait3A_101 = arith.constant 0 : i32
        %dma_wait3A_102 = tpu.memref_slice %arg14[%dma_wait3A_100, %dma_wait3A_101] : memref<10240x128xf32, #tpu.memory_space<vmem_shared>> -> memref<10240x128xf32, #tpu.memory_space<vmem_shared>>
        tpu.wait_indirect_dma semaphore(%run_scoped3A : memref<!tpu.dma_semaphore, #tpu.memory_space<semaphore_mem>>) src(%arg12 : memref<128x128xf32, #tpu.memory_space<vmem>>) dst(%dma_wait3A_102 : memref<10240x128xf32, #tpu.memory_space<vmem_shared>>)
        tpu.yield
      }) : () -> ()
      %add3A_74 = arith.constant 2 : i32
      %add3A_75 = arith.addi %add3A_52, %add3A_74 : i32
      %lt3A = arith.constant 160 : i32
      %lt3A_76 = arith.cmpi slt, %add3A_75, %lt3A : i32
      %convert_element_type3A_77 = arith.extui %lt3A_76 : i1 to i32
      %cond3A_78 = arith.constant 0 : i32
      %cond3A_79 = arith.cmpi ne, %convert_element_type3A_77, %cond3A_78 : i32
      scf.if %cond3A_79 {
        %add3A_97 = arith.constant 2 : i32
        %add3A_98 = arith.addi %add3A_52, %add3A_97 : i32
        %add3A_99 = arith.addi %mul3A_2, %add3A_98 : i32
        %mul3A_100 = arith.constant 128 : i32
        %mul3A_101 = arith.muli %add3A_99, %mul3A_100 : i32
        %dma_start3A_102 = tpu.memref_slice %arg4[%mul3A_101] : memref<327680xi32, #tpu.memory_space<hbm>> -> memref<128xi32, #tpu.memory_space<hbm>>
        %dma_start3A_103 = tpu.memref_slice %arg4[%mul3A_101] : memref<327680xi32, #tpu.memory_space<hbm>> -> memref<128xi32, #tpu.memory_space<hbm>>
        tpu.enqueue_dma source(%dma_start3A_103 : memref<128xi32, #tpu.memory_space<hbm>>) target(%arg8 : memref<128xi32, #tpu.memory_space<vmem>>) target_semaphore(%arg15 : memref<!tpu.dma_semaphore, #tpu.memory_space<semaphore_mem>>)
        %add3A_104 = arith.addi %mul3A_2, %add3A_98 : i32
        %mul3A_105 = arith.constant 128 : i32
        %mul3A_106 = arith.muli %add3A_104, %mul3A_105 : i32
        %dma_start3A_107 = tpu.memref_slice %arg5[%mul3A_106] : memref<327680xi32, #tpu.memory_space<hbm>> -> memref<128xi32, #tpu.memory_space<hbm>>
        %dma_start3A_108 = tpu.memref_slice %arg5[%mul3A_106] : memref<327680xi32, #tpu.memory_space<hbm>> -> memref<128xi32, #tpu.memory_space<hbm>>
        tpu.enqueue_dma source(%dma_start3A_108 : memref<128xi32, #tpu.memory_space<hbm>>) target(%arg9 : memref<128xi32, #tpu.memory_space<vmem>>) target_semaphore(%arg16 : memref<!tpu.dma_semaphore, #tpu.memory_space<semaphore_mem>>)
      } else {
      }
      %dma_wait3A_80 = arith.constant 0 : i32
      %dma_wait3A_81 = arith.constant 0 : i32
      %dma_wait3A_82 = tpu.memref_slice %arg2[%dma_wait3A_80, %dma_wait3A_81] : memref<10000x128xf32, #tpu.memory_space<hbm>> -> memref<10000x128xf32, #tpu.memory_space<hbm>>
      tpu.wait_indirect_dma semaphore(%arg20 : memref<!tpu.dma_semaphore, #tpu.memory_space<semaphore_mem>>) src(%dma_wait3A_82 : memref<10000x128xf32, #tpu.memory_space<hbm>>) dst(%arg13 : memref<128x128xf32, #tpu.memory_space<vmem>>)
      "tpu.region"() ({
        %run_scoped3A = tpu.sem_alloc : memref<!tpu.dma_semaphore, #tpu.memory_space<semaphore_mem>>
        %dma_start3A_97 = arith.constant 0 : i32
        %dma_start3A_98 = arith.constant 0 : i32
        %dma_start3A_99 = tpu.memref_slice %arg14[%dma_start3A_97, %dma_start3A_98] : memref<10240x128xf32, #tpu.memory_space<vmem_shared>> -> memref<10240x128xf32, #tpu.memory_space<vmem_shared>>
        tpu.enqueue_indirect_dma source(%arg13 : memref<128x128xf32, #tpu.memory_space<vmem>>) target(%dma_start3A_99 : memref<10240x128xf32, #tpu.memory_space<vmem_shared>>) offsets(%arg11 : memref<128xi32, #tpu.memory_space<vmem>>) semaphore(%run_scoped3A : memref<!tpu.dma_semaphore, #tpu.memory_space<semaphore_mem>>) {add = true}
        %dma_wait3A_100 = arith.constant 0 : i32
        %dma_wait3A_101 = arith.constant 0 : i32
        %dma_wait3A_102 = tpu.memref_slice %arg14[%dma_wait3A_100, %dma_wait3A_101] : memref<10240x128xf32, #tpu.memory_space<vmem_shared>> -> memref<10240x128xf32, #tpu.memory_space<vmem_shared>>
        tpu.wait_indirect_dma semaphore(%run_scoped3A : memref<!tpu.dma_semaphore, #tpu.memory_space<semaphore_mem>>) src(%arg13 : memref<128x128xf32, #tpu.memory_space<vmem>>) dst(%dma_wait3A_102 : memref<10240x128xf32, #tpu.memory_space<vmem_shared>>)
        tpu.yield
      }) : () -> ()
      %add3A_83 = arith.constant 3 : i32
      %add3A_84 = arith.addi %add3A_52, %add3A_83 : i32
      %lt3A_85 = arith.constant 160 : i32
      %lt3A_86 = arith.cmpi slt, %add3A_84, %lt3A_85 : i32
      %convert_element_type3A_87 = arith.extui %lt3A_86 : i1 to i32
      %cond3A_88 = arith.constant 0 : i32
      %cond3A_89 = arith.cmpi ne, %convert_element_type3A_87, %cond3A_88 : i32
      scf.if %cond3A_89 {
        %add3A_97 = arith.constant 3 : i32
        %add3A_98 = arith.addi %add3A_52, %add3A_97 : i32
        %add3A_99 = arith.addi %mul3A_2, %add3A_98 : i32
        %mul3A_100 = arith.constant 128 : i32
        %mul3A_101 = arith.muli %add3A_99, %mul3A_100 : i32
        %dma_start3A_102 = tpu.memref_slice %arg4[%mul3A_101] : memref<327680xi32, #tpu.memory_space<hbm>> -> memref<128xi32, #tpu.memory_space<hbm>>
        %dma_start3A_103 = tpu.memref_slice %arg4[%mul3A_101] : memref<327680xi32, #tpu.memory_space<hbm>> -> memref<128xi32, #tpu.memory_space<hbm>>
        tpu.enqueue_dma source(%dma_start3A_103 : memref<128xi32, #tpu.memory_space<hbm>>) target(%arg10 : memref<128xi32, #tpu.memory_space<vmem>>) target_semaphore(%arg17 : memref<!tpu.dma_semaphore, #tpu.memory_space<semaphore_mem>>)
        %add3A_104 = arith.addi %mul3A_2, %add3A_98 : i32
        %mul3A_105 = arith.constant 128 : i32
        %mul3A_106 = arith.muli %add3A_104, %mul3A_105 : i32
        %dma_start3A_107 = tpu.memref_slice %arg5[%mul3A_106] : memref<327680xi32, #tpu.memory_space<hbm>> -> memref<128xi32, #tpu.memory_space<hbm>>
        %dma_start3A_108 = tpu.memref_slice %arg5[%mul3A_106] : memref<327680xi32, #tpu.memory_space<hbm>> -> memref<128xi32, #tpu.memory_space<hbm>>
        tpu.enqueue_dma source(%dma_start3A_108 : memref<128xi32, #tpu.memory_space<hbm>>) target(%arg11 : memref<128xi32, #tpu.memory_space<vmem>>) target_semaphore(%arg18 : memref<!tpu.dma_semaphore, #tpu.memory_space<semaphore_mem>>)
      } else {
      }
      %add3A_90 = arith.constant 2 : i32
      %add3A_91 = arith.addi %add3A_52, %add3A_90 : i32
      %lt3A_92 = arith.constant 160 : i32
      %lt3A_93 = arith.cmpi slt, %add3A_91, %lt3A_92 : i32
      %convert_element_type3A_94 = arith.extui %lt3A_93 : i1 to i32
      %cond3A_95 = arith.constant 0 : i32
      %cond3A_96 = arith.cmpi ne, %convert_element_type3A_94, %cond3A_95 : i32
      scf.if %cond3A_96 {
        %dma_wait3A_97 = arith.constant 0 : i32
        %dma_wait3A_98 = tpu.memref_slice %arg4[%dma_wait3A_97] : memref<327680xi32, #tpu.memory_space<hbm>> -> memref<128xi32, #tpu.memory_space<hbm>>
        %dma_wait3A_99 = arith.constant 0 : i32
        %dma_wait3A_100 = tpu.memref_slice %arg4[%dma_wait3A_99] : memref<327680xi32, #tpu.memory_space<hbm>> -> memref<128xi32, #tpu.memory_space<hbm>>
        tpu.wait_dma2 semaphore(%arg15 : memref<!tpu.dma_semaphore, #tpu.memory_space<semaphore_mem>>) src(%dma_wait3A_100 : memref<128xi32, #tpu.memory_space<hbm>>) dst(%arg8 : memref<128xi32, #tpu.memory_space<vmem>>)
        %dma_wait3A_101 = arith.constant 0 : i32
        %dma_wait3A_102 = tpu.memref_slice %arg5[%dma_wait3A_101] : memref<327680xi32, #tpu.memory_space<hbm>> -> memref<128xi32, #tpu.memory_space<hbm>>
        %dma_wait3A_103 = arith.constant 0 : i32
        %dma_wait3A_104 = tpu.memref_slice %arg5[%dma_wait3A_103] : memref<327680xi32, #tpu.memory_space<hbm>> -> memref<128xi32, #tpu.memory_space<hbm>>
        tpu.wait_dma2 semaphore(%arg16 : memref<!tpu.dma_semaphore, #tpu.memory_space<semaphore_mem>>) src(%dma_wait3A_104 : memref<128xi32, #tpu.memory_space<hbm>>) dst(%arg9 : memref<128xi32, #tpu.memory_space<vmem>>)
        %eq3A_105 = arith.constant 0 : i32
        %eq3A_106 = arith.cmpi eq, %arg0, %eq3A_105 : i32
        %convert_element_type3A_107 = arith.extui %eq3A_106 : i1 to i32
        %cond3A_108 = arith.constant 0 : i32
        %cond3A_109 = arith.cmpi ne, %convert_element_type3A_107, %cond3A_108 : i32
        scf.if %cond3A_109 {
          %dma_start3A_115 = arith.constant 0 : i32
          %dma_start3A_116 = arith.constant 0 : i32
          %dma_start3A_117 = tpu.memref_slice %arg2[%dma_start3A_115, %dma_start3A_116] : memref<10000x128xf32, #tpu.memory_space<hbm>> -> memref<10000x128xf32, #tpu.memory_space<hbm>>
          tpu.enqueue_indirect_dma source(%dma_start3A_117 : memref<10000x128xf32, #tpu.memory_space<hbm>>) target(%arg12 : memref<128x128xf32, #tpu.memory_space<vmem>>) offsets(%arg8 : memref<128xi32, #tpu.memory_space<vmem>>) semaphore(%arg19 : memref<!tpu.dma_semaphore, #tpu.memory_space<semaphore_mem>>)
        } else {
        }
        %eq3A_110 = arith.constant 1 : i32
        %eq3A_111 = arith.cmpi eq, %arg0, %eq3A_110 : i32
        %convert_element_type3A_112 = arith.extui %eq3A_111 : i1 to i32
        %cond3A_113 = arith.constant 0 : i32
        %cond3A_114 = arith.cmpi ne, %convert_element_type3A_112, %cond3A_113 : i32
        scf.if %cond3A_114 {
          %dma_start3A_115 = arith.constant 0 : i32
          %dma_start3A_116 = arith.constant 0 : i32
          %dma_start3A_117 = tpu.memref_slice %arg3[%dma_start3A_115, %dma_start3A_116] : memref<10000x128xf32, #tpu.memory_space<hbm>> -> memref<10000x128xf32, #tpu.memory_space<hbm>>
          tpu.enqueue_indirect_dma source(%dma_start3A_117 : memref<10000x128xf32, #tpu.memory_space<hbm>>) target(%arg12 : memref<128x128xf32, #tpu.memory_space<vmem>>) offsets(%arg8 : memref<128xi32, #tpu.memory_space<vmem>>) semaphore(%arg19 : memref<!tpu.dma_semaphore, #tpu.memory_space<semaphore_mem>>)
        } else {
        }
      } else {
      }
    }
    %scan3A_42 = arith.constant 80 : i32
    %barrier3A_43 = arith.constant 0 : index
    tpu.barrier barrier_id(%barrier3A_43)
    %mul3A_44 = arith.constant 640 : i32
    %mul3A_45 = arith.muli %arg1, %mul3A_44 : i32
    %mul3A_46 = arith.constant 640 : i32
    %mul3A_47 = arith.muli %arg1, %mul3A_46 : i32
    "tpu.region"() ({
      %run_scoped3A = tpu.sem_alloc : memref<!tpu.dma_semaphore, #tpu.memory_space<semaphore_mem>>
      %dma_start3A_48 = arith.constant 0 : i32
      %dma_start3A_49 = arith.constant 0 : i32
      %dma_start3A_50 = tpu.memref_slice %arg7[%arg0, %dma_start3A_48, %dma_start3A_49] : memref<2x10240x128xf32, #tpu.memory_space<hbm>> -> memref<1x10240x128xf32, #tpu.memory_space<hbm>>
      %dma_start3A_51 = tpu.memref_squeeze %dma_start3A_50 : memref<1x10240x128xf32, #tpu.memory_space<hbm>> -> memref<10240x128xf32, #tpu.memory_space<hbm>>
      %dma_start3A_52 = arith.constant 0 : i32
      %dma_start3A_53 = tpu.memref_slice %dma_start3A_51[%mul3A_47, %dma_start3A_52] : memref<10240x128xf32, #tpu.memory_space<hbm>> -> memref<640x128xf32, #tpu.memory_space<hbm>>
      %dma_start3A_54 = arith.constant 0 : i32
      %dma_start3A_55 = tpu.memref_slice %arg14[%mul3A_45, %dma_start3A_54] : memref<10240x128xf32, #tpu.memory_space<vmem_shared>> -> memref<640x128xf32, #tpu.memory_space<vmem_shared>>
      tpu.enqueue_dma source(%dma_start3A_55 : memref<640x128xf32, #tpu.memory_space<vmem_shared>>) target(%dma_start3A_53 : memref<640x128xf32, #tpu.memory_space<hbm>>) target_semaphore(%run_scoped3A : memref<!tpu.dma_semaphore, #tpu.memory_space<semaphore_mem>>)
      %dma_wait3A_56 = arith.constant 0 : i32
      %dma_wait3A_57 = arith.constant 0 : i32
      %dma_wait3A_58 = tpu.memref_slice %arg7[%arg0, %dma_wait3A_56, %dma_wait3A_57] : memref<2x10240x128xf32, #tpu.memory_space<hbm>> -> memref<1x10240x128xf32, #tpu.memory_space<hbm>>
      %dma_wait3A_59 = tpu.memref_squeeze %dma_wait3A_58 : memref<1x10240x128xf32, #tpu.memory_space<hbm>> -> memref<10240x128xf32, #tpu.memory_space<hbm>>
      %dma_wait3A_60 = arith.constant 0 : i32
      %dma_wait3A_61 = tpu.memref_slice %dma_wait3A_59[%mul3A_47, %dma_wait3A_60] : memref<10240x128xf32, #tpu.memory_space<hbm>> -> memref<640x128xf32, #tpu.memory_space<hbm>>
      %dma_wait3A_62 = arith.constant 0 : i32
      %dma_wait3A_63 = tpu.memref_slice %arg14[%mul3A_45, %dma_wait3A_62] : memref<10240x128xf32, #tpu.memory_space<vmem_shared>> -> memref<640x128xf32, #tpu.memory_space<vmem_shared>>
      tpu.wait_dma2 semaphore(%run_scoped3A : memref<!tpu.dma_semaphore, #tpu.memory_space<semaphore_mem>>) src(%dma_wait3A_63 : memref<640x128xf32, #tpu.memory_space<vmem_shared>>) dst(%dma_wait3A_61 : memref<640x128xf32, #tpu.memory_space<hbm>>)
      tpu.yield
    }) : () -> ()
    return
  }
}

#map = affine_map<(d0, d1) -> (0, 0)>
#map1 = affine_map<(d0, d1) -> (0)>
#map2 = affine_map<(d0, d1) -> (0, 0, 0)>
module attributes {stable_mosaic.version = 14 : i64} {
  func.func @k(%arg0: i32, %arg1: i32, %arg2: memref<10000x128xf32, #tpu.memory_space<hbm>>, %arg3: memref<10000x128xf32, #tpu.memory_space<hbm>>, %arg4: memref<327680xi32, #tpu.memory_space<hbm>>, %arg5: memref<327680xi32, #tpu.memory_space<hbm>>, %arg6: memref<640x128xf32, #tpu.memory_space<hbm>>, %arg7: memref<2x10240x128xf32, #tpu.memory_space<hbm>>, %arg8: memref<128xi32, #tpu.memory_space<vmem>>, %arg9: memref<128xi32, #tpu.memory_space<vmem>>, %arg10: memref<128xi32, #tpu.memory_space<vmem>>, %arg11: memref<128xi32, #tpu.memory_space<vmem>>, %arg12: memref<128x128xf32, #tpu.memory_space<vmem>>, %arg13: memref<128x128xf32, #tpu.memory_space<vmem>>, %arg14: memref<10240x128xf32, #tpu.memory_space<vmem_shared>>, %arg15: memref<!tpu.dma_semaphore, #tpu.memory_space<semaphore_mem>>, %arg16: memref<!tpu.dma_semaphore, #tpu.memory_space<semaphore_mem>>, %arg17: memref<!tpu.dma_semaphore, #tpu.memory_space<semaphore_mem>>, %arg18: memref<!tpu.dma_semaphore, #tpu.memory_space<semaphore_mem>>, %arg19: memref<!tpu.dma_semaphore, #tpu.memory_space<semaphore_mem>>, %arg20: memref<!tpu.dma_semaphore, #tpu.memory_space<semaphore_mem>>, %arg21: memref<!tpu.dma_semaphore, #tpu.memory_space<semaphore_mem>>, %arg22: memref<!tpu.dma_semaphore, #tpu.memory_space<semaphore_mem>>) attributes {dimension_semantics = [#tpu.dimension_semantics<core_parallel>, #tpu.dimension_semantics<subcore_parallel>], iteration_bounds = array<i64: 2, 16>, scalar_prefetch = 0 : i64, scratch_operands = 15 : i64, tpu.core_type = #tpu.core_type<sc_vector_subcore>, window_params = [{transform_indices = #map}, {transform_indices = #map}, {transform_indices = #map1}, {transform_indices = #map1}, {transform_indices = #map}, {transform_indices = #map2}]} {
    %mul3A = arith.constant 640 : i32
    %mul3A_0 = arith.muli %arg1, %mul3A : i32
    "tpu.region"() ({
      %run_scoped3A = tpu.sem_alloc : memref<!tpu.dma_semaphore, #tpu.memory_space<semaphore_mem>>
      %dma_start3A_51 = arith.constant 0 : i32
      %dma_start3A_52 = tpu.memref_slice %arg14[%mul3A_0, %dma_start3A_51] : memref<10240x128xf32, #tpu.memory_space<vmem_shared>> -> memref<640x128xf32, #tpu.memory_space<vmem_shared>>
      tpu.enqueue_dma source(%arg6 : memref<640x128xf32, #tpu.memory_space<hbm>>) target(%dma_start3A_52 : memref<640x128xf32, #tpu.memory_space<vmem_shared>>) target_semaphore(%run_scoped3A : memref<!tpu.dma_semaphore, #tpu.memory_space<semaphore_mem>>)
      %dma_wait3A_53 = arith.constant 0 : i32
      %dma_wait3A_54 = tpu.memref_slice %arg14[%mul3A_0, %dma_wait3A_53] : memref<10240x128xf32, #tpu.memory_space<vmem_shared>> -> memref<640x128xf32, #tpu.memory_space<vmem_shared>>
      tpu.wait_dma2 semaphore(%run_scoped3A : memref<!tpu.dma_semaphore, #tpu.memory_space<semaphore_mem>>) src(%arg6 : memref<640x128xf32, #tpu.memory_space<hbm>>) dst(%dma_wait3A_54 : memref<640x128xf32, #tpu.memory_space<vmem_shared>>)
      tpu.yield
    }) : () -> ()
    %barrier3A = arith.constant 0 : index
    tpu.barrier barrier_id(%barrier3A)
    %mul3A_1 = arith.constant 16 : i32
    %mul3A_2 = arith.muli %arg0, %mul3A_1 : i32
    %add3A = arith.addi %mul3A_2, %arg1 : i32
    %mul3A_3 = arith.constant 80 : i32
    %mul3A_4 = arith.muli %add3A, %mul3A_3 : i32
    %add3A_5 = arith.constant 0 : i32
    %add3A_6 = arith.addi %mul3A_4, %add3A_5 : i32
    %mul3A_7 = arith.constant 128 : i32
    %mul3A_8 = arith.muli %add3A_6, %mul3A_7 : i32
    %dma_start3A = tpu.memref_slice %arg4[%mul3A_8] : memref<327680xi32, #tpu.memory_space<hbm>> -> memref<128xi32, #tpu.memory_space<hbm>>
    %dma_start3A_9 = tpu.memref_slice %arg4[%mul3A_8] : memref<327680xi32, #tpu.memory_space<hbm>> -> memref<128xi32, #tpu.memory_space<hbm>>
    tpu.enqueue_dma source(%dma_start3A_9 : memref<128xi32, #tpu.memory_space<hbm>>) target(%arg8 : memref<128xi32, #tpu.memory_space<vmem>>) target_semaphore(%arg15 : memref<!tpu.dma_semaphore, #tpu.memory_space<semaphore_mem>>)
    %add3A_10 = arith.constant 0 : i32
    %add3A_11 = arith.addi %mul3A_4, %add3A_10 : i32
    %mul3A_12 = arith.constant 128 : i32
    %mul3A_13 = arith.muli %add3A_11, %mul3A_12 : i32
    %dma_start3A_14 = tpu.memref_slice %arg5[%mul3A_13] : memref<327680xi32, #tpu.memory_space<hbm>> -> memref<128xi32, #tpu.memory_space<hbm>>
    %dma_start3A_15 = tpu.memref_slice %arg5[%mul3A_13] : memref<327680xi32, #tpu.memory_space<hbm>> -> memref<128xi32, #tpu.memory_space<hbm>>
    tpu.enqueue_dma source(%dma_start3A_15 : memref<128xi32, #tpu.memory_space<hbm>>) target(%arg9 : memref<128xi32, #tpu.memory_space<vmem>>) target_semaphore(%arg16 : memref<!tpu.dma_semaphore, #tpu.memory_space<semaphore_mem>>)
    %add3A_16 = arith.constant 1 : i32
    %add3A_17 = arith.addi %mul3A_4, %add3A_16 : i32
    %mul3A_18 = arith.constant 128 : i32
    %mul3A_19 = arith.muli %add3A_17, %mul3A_18 : i32
    %dma_start3A_20 = tpu.memref_slice %arg4[%mul3A_19] : memref<327680xi32, #tpu.memory_space<hbm>> -> memref<128xi32, #tpu.memory_space<hbm>>
    %dma_start3A_21 = tpu.memref_slice %arg4[%mul3A_19] : memref<327680xi32, #tpu.memory_space<hbm>> -> memref<128xi32, #tpu.memory_space<hbm>>
    tpu.enqueue_dma source(%dma_start3A_21 : memref<128xi32, #tpu.memory_space<hbm>>) target(%arg10 : memref<128xi32, #tpu.memory_space<vmem>>) target_semaphore(%arg17 : memref<!tpu.dma_semaphore, #tpu.memory_space<semaphore_mem>>)
    %add3A_22 = arith.constant 1 : i32
    %add3A_23 = arith.addi %mul3A_4, %add3A_22 : i32
    %mul3A_24 = arith.constant 128 : i32
    %mul3A_25 = arith.muli %add3A_23, %mul3A_24 : i32
    %dma_start3A_26 = tpu.memref_slice %arg5[%mul3A_25] : memref<327680xi32, #tpu.memory_space<hbm>> -> memref<128xi32, #tpu.memory_space<hbm>>
    %dma_start3A_27 = tpu.memref_slice %arg5[%mul3A_25] : memref<327680xi32, #tpu.memory_space<hbm>> -> memref<128xi32, #tpu.memory_space<hbm>>
    tpu.enqueue_dma source(%dma_start3A_27 : memref<128xi32, #tpu.memory_space<hbm>>) target(%arg11 : memref<128xi32, #tpu.memory_space<vmem>>) target_semaphore(%arg18 : memref<!tpu.dma_semaphore, #tpu.memory_space<semaphore_mem>>)
    %dma_wait3A = arith.constant 0 : i32
    %dma_wait3A_28 = tpu.memref_slice %arg4[%dma_wait3A] : memref<327680xi32, #tpu.memory_space<hbm>> -> memref<128xi32, #tpu.memory_space<hbm>>
    %dma_wait3A_29 = arith.constant 0 : i32
    %dma_wait3A_30 = tpu.memref_slice %arg4[%dma_wait3A_29] : memref<327680xi32, #tpu.memory_space<hbm>> -> memref<128xi32, #tpu.memory_space<hbm>>
    tpu.wait_dma2 semaphore(%arg15 : memref<!tpu.dma_semaphore, #tpu.memory_space<semaphore_mem>>) src(%dma_wait3A_30 : memref<128xi32, #tpu.memory_space<hbm>>) dst(%arg8 : memref<128xi32, #tpu.memory_space<vmem>>)
    %dma_wait3A_31 = arith.constant 0 : i32
    %dma_wait3A_32 = tpu.memref_slice %arg5[%dma_wait3A_31] : memref<327680xi32, #tpu.memory_space<hbm>> -> memref<128xi32, #tpu.memory_space<hbm>>
    %dma_wait3A_33 = arith.constant 0 : i32
    %dma_wait3A_34 = tpu.memref_slice %arg5[%dma_wait3A_33] : memref<327680xi32, #tpu.memory_space<hbm>> -> memref<128xi32, #tpu.memory_space<hbm>>
    tpu.wait_dma2 semaphore(%arg16 : memref<!tpu.dma_semaphore, #tpu.memory_space<semaphore_mem>>) src(%dma_wait3A_34 : memref<128xi32, #tpu.memory_space<hbm>>) dst(%arg9 : memref<128xi32, #tpu.memory_space<vmem>>)
    %eq3A = arith.constant 0 : i32
    %eq3A_35 = arith.cmpi eq, %arg0, %eq3A : i32
    %convert_element_type3A = arith.extui %eq3A_35 : i1 to i32
    %cond3A = arith.constant 0 : i32
    %cond3A_36 = arith.cmpi ne, %convert_element_type3A, %cond3A : i32
    scf.if %cond3A_36 {
      %dma_start3A_51 = arith.constant 0 : i32
      %dma_start3A_52 = arith.constant 0 : i32
      %dma_start3A_53 = tpu.memref_slice %arg2[%dma_start3A_51, %dma_start3A_52] : memref<10000x128xf32, #tpu.memory_space<hbm>> -> memref<10000x128xf32, #tpu.memory_space<hbm>>
      tpu.enqueue_indirect_dma source(%dma_start3A_53 : memref<10000x128xf32, #tpu.memory_space<hbm>>) target(%arg12 : memref<128x128xf32, #tpu.memory_space<vmem>>) offsets(%arg8 : memref<128xi32, #tpu.memory_space<vmem>>) semaphore(%arg19 : memref<!tpu.dma_semaphore, #tpu.memory_space<semaphore_mem>>)
    } else {
    }
    %eq3A_37 = arith.constant 1 : i32
    %eq3A_38 = arith.cmpi eq, %arg0, %eq3A_37 : i32
    %convert_element_type3A_39 = arith.extui %eq3A_38 : i1 to i32
    %cond3A_40 = arith.constant 0 : i32
    %cond3A_41 = arith.cmpi ne, %convert_element_type3A_39, %cond3A_40 : i32
    scf.if %cond3A_41 {
      %dma_start3A_51 = arith.constant 0 : i32
      %dma_start3A_52 = arith.constant 0 : i32
      %dma_start3A_53 = tpu.memref_slice %arg3[%dma_start3A_51, %dma_start3A_52] : memref<10000x128xf32, #tpu.memory_space<hbm>> -> memref<10000x128xf32, #tpu.memory_space<hbm>>
      tpu.enqueue_indirect_dma source(%dma_start3A_53 : memref<10000x128xf32, #tpu.memory_space<hbm>>) target(%arg12 : memref<128x128xf32, #tpu.memory_space<vmem>>) offsets(%arg8 : memref<128xi32, #tpu.memory_space<vmem>>) semaphore(%arg19 : memref<!tpu.dma_semaphore, #tpu.memory_space<semaphore_mem>>)
    } else {
    }
    %scan3A = arith.constant 0 : i32
    %scan3A_42 = arith.constant 40 : i32
    %scan3A_43 = arith.addi %scan3A, %scan3A_42 : i32
    %scan3A_44 = arith.constant 1 : i32
    scf.for %scan3A_51 = %scan3A to %scan3A_43 step %scan3A_44  : i32 {
      %mul3A_52 = arith.constant 2 : i32
      %mul3A_53 = arith.muli %scan3A_51, %mul3A_52 : i32
      %add3A_54 = arith.constant 0 : i32
      %add3A_55 = arith.addi %add3A_54, %mul3A_53 : i32
      %dma_wait3A_56 = arith.constant 0 : i32
      %dma_wait3A_57 = tpu.memref_slice %arg4[%dma_wait3A_56] : memref<327680xi32, #tpu.memory_space<hbm>> -> memref<128xi32, #tpu.memory_space<hbm>>
      %dma_wait3A_58 = arith.constant 0 : i32
      %dma_wait3A_59 = tpu.memref_slice %arg4[%dma_wait3A_58] : memref<327680xi32, #tpu.memory_space<hbm>> -> memref<128xi32, #tpu.memory_space<hbm>>
      tpu.wait_dma2 semaphore(%arg17 : memref<!tpu.dma_semaphore, #tpu.memory_space<semaphore_mem>>) src(%dma_wait3A_59 : memref<128xi32, #tpu.memory_space<hbm>>) dst(%arg10 : memref<128xi32, #tpu.memory_space<vmem>>)
      %dma_wait3A_60 = arith.constant 0 : i32
      %dma_wait3A_61 = tpu.memref_slice %arg5[%dma_wait3A_60] : memref<327680xi32, #tpu.memory_space<hbm>> -> memref<128xi32, #tpu.memory_space<hbm>>
      %dma_wait3A_62 = arith.constant 0 : i32
      %dma_wait3A_63 = tpu.memref_slice %arg5[%dma_wait3A_62] : memref<327680xi32, #tpu.memory_space<hbm>> -> memref<128xi32, #tpu.memory_space<hbm>>
      tpu.wait_dma2 semaphore(%arg18 : memref<!tpu.dma_semaphore, #tpu.memory_space<semaphore_mem>>) src(%dma_wait3A_63 : memref<128xi32, #tpu.memory_space<hbm>>) dst(%arg11 : memref<128xi32, #tpu.memory_space<vmem>>)
      %eq3A_64 = arith.constant 0 : i32
      %eq3A_65 = arith.cmpi eq, %arg0, %eq3A_64 : i32
      %convert_element_type3A_66 = arith.extui %eq3A_65 : i1 to i32
      %cond3A_67 = arith.constant 0 : i32
      %cond3A_68 = arith.cmpi ne, %convert_element_type3A_66, %cond3A_67 : i32
      scf.if %cond3A_68 {
        %dma_start3A_100 = arith.constant 0 : i32
        %dma_start3A_101 = arith.constant 0 : i32
        %dma_start3A_102 = tpu.memref_slice %arg2[%dma_start3A_100, %dma_start3A_101] : memref<10000x128xf32, #tpu.memory_space<hbm>> -> memref<10000x128xf32, #tpu.memory_space<hbm>>
        tpu.enqueue_indirect_dma source(%dma_start3A_102 : memref<10000x128xf32, #tpu.memory_space<hbm>>) target(%arg13 : memref<128x128xf32, #tpu.memory_space<vmem>>) offsets(%arg10 : memref<128xi32, #tpu.memory_space<vmem>>) semaphore(%arg20 : memref<!tpu.dma_semaphore, #tpu.memory_space<semaphore_mem>>)
      } else {
      }
      %eq3A_69 = arith.constant 1 : i32
      %eq3A_70 = arith.cmpi eq, %arg0, %eq3A_69 : i32
      %convert_element_type3A_71 = arith.extui %eq3A_70 : i1 to i32
      %cond3A_72 = arith.constant 0 : i32
      %cond3A_73 = arith.cmpi ne, %convert_element_type3A_71, %cond3A_72 : i32
      scf.if %cond3A_73 {
        %dma_start3A_100 = arith.constant 0 : i32
        %dma_start3A_101 = arith.constant 0 : i32
        %dma_start3A_102 = tpu.memref_slice %arg3[%dma_start3A_100, %dma_start3A_101] : memref<10000x128xf32, #tpu.memory_space<hbm>> -> memref<10000x128xf32, #tpu.memory_space<hbm>>
        tpu.enqueue_indirect_dma source(%dma_start3A_102 : memref<10000x128xf32, #tpu.memory_space<hbm>>) target(%arg13 : memref<128x128xf32, #tpu.memory_space<vmem>>) offsets(%arg10 : memref<128xi32, #tpu.memory_space<vmem>>) semaphore(%arg20 : memref<!tpu.dma_semaphore, #tpu.memory_space<semaphore_mem>>)
      } else {
      }
      %dma_wait3A_74 = arith.constant 0 : i32
      %dma_wait3A_75 = arith.constant 0 : i32
      %dma_wait3A_76 = tpu.memref_slice %arg2[%dma_wait3A_74, %dma_wait3A_75] : memref<10000x128xf32, #tpu.memory_space<hbm>> -> memref<10000x128xf32, #tpu.memory_space<hbm>>
      tpu.wait_indirect_dma semaphore(%arg19 : memref<!tpu.dma_semaphore, #tpu.memory_space<semaphore_mem>>) src(%dma_wait3A_76 : memref<10000x128xf32, #tpu.memory_space<hbm>>) dst(%arg12 : memref<128x128xf32, #tpu.memory_space<vmem>>)
      "tpu.region"() ({
        %run_scoped3A = tpu.sem_alloc : memref<!tpu.dma_semaphore, #tpu.memory_space<semaphore_mem>>
        %dma_start3A_100 = arith.constant 0 : i32
        %dma_start3A_101 = arith.constant 0 : i32
        %dma_start3A_102 = tpu.memref_slice %arg14[%dma_start3A_100, %dma_start3A_101] : memref<10240x128xf32, #tpu.memory_space<vmem_shared>> -> memref<10240x128xf32, #tpu.memory_space<vmem_shared>>
        tpu.enqueue_indirect_dma source(%arg12 : memref<128x128xf32, #tpu.memory_space<vmem>>) target(%dma_start3A_102 : memref<10240x128xf32, #tpu.memory_space<vmem_shared>>) offsets(%arg9 : memref<128xi32, #tpu.memory_space<vmem>>) semaphore(%run_scoped3A : memref<!tpu.dma_semaphore, #tpu.memory_space<semaphore_mem>>) {add = true}
        %dma_wait3A_103 = arith.constant 0 : i32
        %dma_wait3A_104 = arith.constant 0 : i32
        %dma_wait3A_105 = tpu.memref_slice %arg14[%dma_wait3A_103, %dma_wait3A_104] : memref<10240x128xf32, #tpu.memory_space<vmem_shared>> -> memref<10240x128xf32, #tpu.memory_space<vmem_shared>>
        tpu.wait_indirect_dma semaphore(%run_scoped3A : memref<!tpu.dma_semaphore, #tpu.memory_space<semaphore_mem>>) src(%arg12 : memref<128x128xf32, #tpu.memory_space<vmem>>) dst(%dma_wait3A_105 : memref<10240x128xf32, #tpu.memory_space<vmem_shared>>)
        tpu.yield
      }) : () -> ()
      %add3A_77 = arith.constant 2 : i32
      %add3A_78 = arith.addi %add3A_55, %add3A_77 : i32
      %lt3A = arith.constant 80 : i32
      %lt3A_79 = arith.cmpi slt, %add3A_78, %lt3A : i32
      %convert_element_type3A_80 = arith.extui %lt3A_79 : i1 to i32
      %cond3A_81 = arith.constant 0 : i32
      %cond3A_82 = arith.cmpi ne, %convert_element_type3A_80, %cond3A_81 : i32
      scf.if %cond3A_82 {
        %add3A_100 = arith.constant 2 : i32
        %add3A_101 = arith.addi %add3A_55, %add3A_100 : i32
        %add3A_102 = arith.addi %mul3A_4, %add3A_101 : i32
        %mul3A_103 = arith.constant 128 : i32
        %mul3A_104 = arith.muli %add3A_102, %mul3A_103 : i32
        %dma_start3A_105 = tpu.memref_slice %arg4[%mul3A_104] : memref<327680xi32, #tpu.memory_space<hbm>> -> memref<128xi32, #tpu.memory_space<hbm>>
        %dma_start3A_106 = tpu.memref_slice %arg4[%mul3A_104] : memref<327680xi32, #tpu.memory_space<hbm>> -> memref<128xi32, #tpu.memory_space<hbm>>
        tpu.enqueue_dma source(%dma_start3A_106 : memref<128xi32, #tpu.memory_space<hbm>>) target(%arg8 : memref<128xi32, #tpu.memory_space<vmem>>) target_semaphore(%arg15 : memref<!tpu.dma_semaphore, #tpu.memory_space<semaphore_mem>>)
        %add3A_107 = arith.addi %mul3A_4, %add3A_101 : i32
        %mul3A_108 = arith.constant 128 : i32
        %mul3A_109 = arith.muli %add3A_107, %mul3A_108 : i32
        %dma_start3A_110 = tpu.memref_slice %arg5[%mul3A_109] : memref<327680xi32, #tpu.memory_space<hbm>> -> memref<128xi32, #tpu.memory_space<hbm>>
        %dma_start3A_111 = tpu.memref_slice %arg5[%mul3A_109] : memref<327680xi32, #tpu.memory_space<hbm>> -> memref<128xi32, #tpu.memory_space<hbm>>
        tpu.enqueue_dma source(%dma_start3A_111 : memref<128xi32, #tpu.memory_space<hbm>>) target(%arg9 : memref<128xi32, #tpu.memory_space<vmem>>) target_semaphore(%arg16 : memref<!tpu.dma_semaphore, #tpu.memory_space<semaphore_mem>>)
      } else {
      }
      %dma_wait3A_83 = arith.constant 0 : i32
      %dma_wait3A_84 = arith.constant 0 : i32
      %dma_wait3A_85 = tpu.memref_slice %arg2[%dma_wait3A_83, %dma_wait3A_84] : memref<10000x128xf32, #tpu.memory_space<hbm>> -> memref<10000x128xf32, #tpu.memory_space<hbm>>
      tpu.wait_indirect_dma semaphore(%arg20 : memref<!tpu.dma_semaphore, #tpu.memory_space<semaphore_mem>>) src(%dma_wait3A_85 : memref<10000x128xf32, #tpu.memory_space<hbm>>) dst(%arg13 : memref<128x128xf32, #tpu.memory_space<vmem>>)
      "tpu.region"() ({
        %run_scoped3A = tpu.sem_alloc : memref<!tpu.dma_semaphore, #tpu.memory_space<semaphore_mem>>
        %dma_start3A_100 = arith.constant 0 : i32
        %dma_start3A_101 = arith.constant 0 : i32
        %dma_start3A_102 = tpu.memref_slice %arg14[%dma_start3A_100, %dma_start3A_101] : memref<10240x128xf32, #tpu.memory_space<vmem_shared>> -> memref<10240x128xf32, #tpu.memory_space<vmem_shared>>
        tpu.enqueue_indirect_dma source(%arg13 : memref<128x128xf32, #tpu.memory_space<vmem>>) target(%dma_start3A_102 : memref<10240x128xf32, #tpu.memory_space<vmem_shared>>) offsets(%arg11 : memref<128xi32, #tpu.memory_space<vmem>>) semaphore(%run_scoped3A : memref<!tpu.dma_semaphore, #tpu.memory_space<semaphore_mem>>) {add = true}
        %dma_wait3A_103 = arith.constant 0 : i32
        %dma_wait3A_104 = arith.constant 0 : i32
        %dma_wait3A_105 = tpu.memref_slice %arg14[%dma_wait3A_103, %dma_wait3A_104] : memref<10240x128xf32, #tpu.memory_space<vmem_shared>> -> memref<10240x128xf32, #tpu.memory_space<vmem_shared>>
        tpu.wait_indirect_dma semaphore(%run_scoped3A : memref<!tpu.dma_semaphore, #tpu.memory_space<semaphore_mem>>) src(%arg13 : memref<128x128xf32, #tpu.memory_space<vmem>>) dst(%dma_wait3A_105 : memref<10240x128xf32, #tpu.memory_space<vmem_shared>>)
        tpu.yield
      }) : () -> ()
      %add3A_86 = arith.constant 3 : i32
      %add3A_87 = arith.addi %add3A_55, %add3A_86 : i32
      %lt3A_88 = arith.constant 80 : i32
      %lt3A_89 = arith.cmpi slt, %add3A_87, %lt3A_88 : i32
      %convert_element_type3A_90 = arith.extui %lt3A_89 : i1 to i32
      %cond3A_91 = arith.constant 0 : i32
      %cond3A_92 = arith.cmpi ne, %convert_element_type3A_90, %cond3A_91 : i32
      scf.if %cond3A_92 {
        %add3A_100 = arith.constant 3 : i32
        %add3A_101 = arith.addi %add3A_55, %add3A_100 : i32
        %add3A_102 = arith.addi %mul3A_4, %add3A_101 : i32
        %mul3A_103 = arith.constant 128 : i32
        %mul3A_104 = arith.muli %add3A_102, %mul3A_103 : i32
        %dma_start3A_105 = tpu.memref_slice %arg4[%mul3A_104] : memref<327680xi32, #tpu.memory_space<hbm>> -> memref<128xi32, #tpu.memory_space<hbm>>
        %dma_start3A_106 = tpu.memref_slice %arg4[%mul3A_104] : memref<327680xi32, #tpu.memory_space<hbm>> -> memref<128xi32, #tpu.memory_space<hbm>>
        tpu.enqueue_dma source(%dma_start3A_106 : memref<128xi32, #tpu.memory_space<hbm>>) target(%arg10 : memref<128xi32, #tpu.memory_space<vmem>>) target_semaphore(%arg17 : memref<!tpu.dma_semaphore, #tpu.memory_space<semaphore_mem>>)
        %add3A_107 = arith.addi %mul3A_4, %add3A_101 : i32
        %mul3A_108 = arith.constant 128 : i32
        %mul3A_109 = arith.muli %add3A_107, %mul3A_108 : i32
        %dma_start3A_110 = tpu.memref_slice %arg5[%mul3A_109] : memref<327680xi32, #tpu.memory_space<hbm>> -> memref<128xi32, #tpu.memory_space<hbm>>
        %dma_start3A_111 = tpu.memref_slice %arg5[%mul3A_109] : memref<327680xi32, #tpu.memory_space<hbm>> -> memref<128xi32, #tpu.memory_space<hbm>>
        tpu.enqueue_dma source(%dma_start3A_111 : memref<128xi32, #tpu.memory_space<hbm>>) target(%arg11 : memref<128xi32, #tpu.memory_space<vmem>>) target_semaphore(%arg18 : memref<!tpu.dma_semaphore, #tpu.memory_space<semaphore_mem>>)
      } else {
      }
      %add3A_93 = arith.constant 2 : i32
      %add3A_94 = arith.addi %add3A_55, %add3A_93 : i32
      %lt3A_95 = arith.constant 80 : i32
      %lt3A_96 = arith.cmpi slt, %add3A_94, %lt3A_95 : i32
      %convert_element_type3A_97 = arith.extui %lt3A_96 : i1 to i32
      %cond3A_98 = arith.constant 0 : i32
      %cond3A_99 = arith.cmpi ne, %convert_element_type3A_97, %cond3A_98 : i32
      scf.if %cond3A_99 {
        %dma_wait3A_100 = arith.constant 0 : i32
        %dma_wait3A_101 = tpu.memref_slice %arg4[%dma_wait3A_100] : memref<327680xi32, #tpu.memory_space<hbm>> -> memref<128xi32, #tpu.memory_space<hbm>>
        %dma_wait3A_102 = arith.constant 0 : i32
        %dma_wait3A_103 = tpu.memref_slice %arg4[%dma_wait3A_102] : memref<327680xi32, #tpu.memory_space<hbm>> -> memref<128xi32, #tpu.memory_space<hbm>>
        tpu.wait_dma2 semaphore(%arg15 : memref<!tpu.dma_semaphore, #tpu.memory_space<semaphore_mem>>) src(%dma_wait3A_103 : memref<128xi32, #tpu.memory_space<hbm>>) dst(%arg8 : memref<128xi32, #tpu.memory_space<vmem>>)
        %dma_wait3A_104 = arith.constant 0 : i32
        %dma_wait3A_105 = tpu.memref_slice %arg5[%dma_wait3A_104] : memref<327680xi32, #tpu.memory_space<hbm>> -> memref<128xi32, #tpu.memory_space<hbm>>
        %dma_wait3A_106 = arith.constant 0 : i32
        %dma_wait3A_107 = tpu.memref_slice %arg5[%dma_wait3A_106] : memref<327680xi32, #tpu.memory_space<hbm>> -> memref<128xi32, #tpu.memory_space<hbm>>
        tpu.wait_dma2 semaphore(%arg16 : memref<!tpu.dma_semaphore, #tpu.memory_space<semaphore_mem>>) src(%dma_wait3A_107 : memref<128xi32, #tpu.memory_space<hbm>>) dst(%arg9 : memref<128xi32, #tpu.memory_space<vmem>>)
        %eq3A_108 = arith.constant 0 : i32
        %eq3A_109 = arith.cmpi eq, %arg0, %eq3A_108 : i32
        %convert_element_type3A_110 = arith.extui %eq3A_109 : i1 to i32
        %cond3A_111 = arith.constant 0 : i32
        %cond3A_112 = arith.cmpi ne, %convert_element_type3A_110, %cond3A_111 : i32
        scf.if %cond3A_112 {
          %dma_start3A_118 = arith.constant 0 : i32
          %dma_start3A_119 = arith.constant 0 : i32
          %dma_start3A_120 = tpu.memref_slice %arg2[%dma_start3A_118, %dma_start3A_119] : memref<10000x128xf32, #tpu.memory_space<hbm>> -> memref<10000x128xf32, #tpu.memory_space<hbm>>
          tpu.enqueue_indirect_dma source(%dma_start3A_120 : memref<10000x128xf32, #tpu.memory_space<hbm>>) target(%arg12 : memref<128x128xf32, #tpu.memory_space<vmem>>) offsets(%arg8 : memref<128xi32, #tpu.memory_space<vmem>>) semaphore(%arg19 : memref<!tpu.dma_semaphore, #tpu.memory_space<semaphore_mem>>)
        } else {
        }
        %eq3A_113 = arith.constant 1 : i32
        %eq3A_114 = arith.cmpi eq, %arg0, %eq3A_113 : i32
        %convert_element_type3A_115 = arith.extui %eq3A_114 : i1 to i32
        %cond3A_116 = arith.constant 0 : i32
        %cond3A_117 = arith.cmpi ne, %convert_element_type3A_115, %cond3A_116 : i32
        scf.if %cond3A_117 {
          %dma_start3A_118 = arith.constant 0 : i32
          %dma_start3A_119 = arith.constant 0 : i32
          %dma_start3A_120 = tpu.memref_slice %arg3[%dma_start3A_118, %dma_start3A_119] : memref<10000x128xf32, #tpu.memory_space<hbm>> -> memref<10000x128xf32, #tpu.memory_space<hbm>>
          tpu.enqueue_indirect_dma source(%dma_start3A_120 : memref<10000x128xf32, #tpu.memory_space<hbm>>) target(%arg12 : memref<128x128xf32, #tpu.memory_space<vmem>>) offsets(%arg8 : memref<128xi32, #tpu.memory_space<vmem>>) semaphore(%arg19 : memref<!tpu.dma_semaphore, #tpu.memory_space<semaphore_mem>>)
        } else {
        }
      } else {
      }
    }
    %scan3A_45 = arith.constant 40 : i32
    %barrier3A_46 = arith.constant 0 : index
    tpu.barrier barrier_id(%barrier3A_46)
    %mul3A_47 = arith.constant 640 : i32
    %mul3A_48 = arith.muli %arg1, %mul3A_47 : i32
    %mul3A_49 = arith.constant 640 : i32
    %mul3A_50 = arith.muli %arg1, %mul3A_49 : i32
    "tpu.region"() ({
      %run_scoped3A = tpu.sem_alloc : memref<!tpu.dma_semaphore, #tpu.memory_space<semaphore_mem>>
      %dma_start3A_51 = arith.constant 0 : i32
      %dma_start3A_52 = arith.constant 0 : i32
      %dma_start3A_53 = tpu.memref_slice %arg7[%arg0, %dma_start3A_51, %dma_start3A_52] : memref<2x10240x128xf32, #tpu.memory_space<hbm>> -> memref<1x10240x128xf32, #tpu.memory_space<hbm>>
      %dma_start3A_54 = tpu.memref_squeeze %dma_start3A_53 : memref<1x10240x128xf32, #tpu.memory_space<hbm>> -> memref<10240x128xf32, #tpu.memory_space<hbm>>
      %dma_start3A_55 = arith.constant 0 : i32
      %dma_start3A_56 = tpu.memref_slice %dma_start3A_54[%mul3A_50, %dma_start3A_55] : memref<10240x128xf32, #tpu.memory_space<hbm>> -> memref<640x128xf32, #tpu.memory_space<hbm>>
      %dma_start3A_57 = arith.constant 0 : i32
      %dma_start3A_58 = tpu.memref_slice %arg14[%mul3A_48, %dma_start3A_57] : memref<10240x128xf32, #tpu.memory_space<vmem_shared>> -> memref<640x128xf32, #tpu.memory_space<vmem_shared>>
      tpu.enqueue_dma source(%dma_start3A_58 : memref<640x128xf32, #tpu.memory_space<vmem_shared>>) target(%dma_start3A_56 : memref<640x128xf32, #tpu.memory_space<hbm>>) target_semaphore(%run_scoped3A : memref<!tpu.dma_semaphore, #tpu.memory_space<semaphore_mem>>)
      %dma_wait3A_59 = arith.constant 0 : i32
      %dma_wait3A_60 = arith.constant 0 : i32
      %dma_wait3A_61 = tpu.memref_slice %arg7[%arg0, %dma_wait3A_59, %dma_wait3A_60] : memref<2x10240x128xf32, #tpu.memory_space<hbm>> -> memref<1x10240x128xf32, #tpu.memory_space<hbm>>
      %dma_wait3A_62 = tpu.memref_squeeze %dma_wait3A_61 : memref<1x10240x128xf32, #tpu.memory_space<hbm>> -> memref<10240x128xf32, #tpu.memory_space<hbm>>
      %dma_wait3A_63 = arith.constant 0 : i32
      %dma_wait3A_64 = tpu.memref_slice %dma_wait3A_62[%mul3A_50, %dma_wait3A_63] : memref<10240x128xf32, #tpu.memory_space<hbm>> -> memref<640x128xf32, #tpu.memory_space<hbm>>
      %dma_wait3A_65 = arith.constant 0 : i32
      %dma_wait3A_66 = tpu.memref_slice %arg14[%mul3A_48, %dma_wait3A_65] : memref<10240x128xf32, #tpu.memory_space<vmem_shared>> -> memref<640x128xf32, #tpu.memory_space<vmem_shared>>
      tpu.wait_dma2 semaphore(%run_scoped3A : memref<!tpu.dma_semaphore, #tpu.memory_space<semaphore_mem>>) src(%dma_wait3A_66 : memref<640x128xf32, #tpu.memory_space<vmem_shared>>) dst(%dma_wait3A_64 : memref<640x128xf32, #tpu.memory_space<hbm>>)
      tpu.yield
    }) : () -> ()
    return
  }
}

#map = affine_map<(d0, d1) -> (0, 0)>
#map1 = affine_map<(d0, d1) -> (0)>
#map2 = affine_map<(d0, d1) -> (0, 0, 0)>
module attributes {stable_mosaic.version = 14 : i64} {
  func.func @k(%arg0: i32, %arg1: i32, %arg2: memref<10000x128xf32, #tpu.memory_space<hbm>>, %arg3: memref<10000x128xf32, #tpu.memory_space<hbm>>, %arg4: memref<327680xi32, #tpu.memory_space<hbm>>, %arg5: memref<327680xi32, #tpu.memory_space<hbm>>, %arg6: memref<640x128xf32, #tpu.memory_space<hbm>>, %arg7: memref<2x10240x128xf32, #tpu.memory_space<hbm>>, %arg8: memref<128xi32, #tpu.memory_space<vmem>>, %arg9: memref<128xi32, #tpu.memory_space<vmem>>, %arg10: memref<128xi32, #tpu.memory_space<vmem>>, %arg11: memref<128xi32, #tpu.memory_space<vmem>>, %arg12: memref<128x128xf32, #tpu.memory_space<vmem>>, %arg13: memref<128x128xf32, #tpu.memory_space<vmem>>, %arg14: memref<10240x128xf32, #tpu.memory_space<vmem_shared>>, %arg15: memref<!tpu.dma_semaphore, #tpu.memory_space<semaphore_mem>>, %arg16: memref<!tpu.dma_semaphore, #tpu.memory_space<semaphore_mem>>, %arg17: memref<!tpu.dma_semaphore, #tpu.memory_space<semaphore_mem>>, %arg18: memref<!tpu.dma_semaphore, #tpu.memory_space<semaphore_mem>>, %arg19: memref<!tpu.dma_semaphore, #tpu.memory_space<semaphore_mem>>, %arg20: memref<!tpu.dma_semaphore, #tpu.memory_space<semaphore_mem>>, %arg21: memref<!tpu.dma_semaphore, #tpu.memory_space<semaphore_mem>>, %arg22: memref<!tpu.dma_semaphore, #tpu.memory_space<semaphore_mem>>) attributes {dimension_semantics = [#tpu.dimension_semantics<core_parallel>, #tpu.dimension_semantics<subcore_parallel>], iteration_bounds = array<i64: 2, 16>, scalar_prefetch = 0 : i64, scratch_operands = 15 : i64, tpu.core_type = #tpu.core_type<sc_vector_subcore>, window_params = [{transform_indices = #map}, {transform_indices = #map}, {transform_indices = #map1}, {transform_indices = #map1}, {transform_indices = #map}, {transform_indices = #map2}]} {
    %mul3A = arith.constant 640 : i32
    %mul3A_0 = arith.muli %arg1, %mul3A : i32
    "tpu.region"() ({
      %run_scoped3A = tpu.sem_alloc : memref<!tpu.dma_semaphore, #tpu.memory_space<semaphore_mem>>
      %dma_start3A_51 = arith.constant 0 : i32
      %dma_start3A_52 = tpu.memref_slice %arg14[%mul3A_0, %dma_start3A_51] : memref<10240x128xf32, #tpu.memory_space<vmem_shared>> -> memref<640x128xf32, #tpu.memory_space<vmem_shared>>
      tpu.enqueue_dma source(%arg6 : memref<640x128xf32, #tpu.memory_space<hbm>>) target(%dma_start3A_52 : memref<640x128xf32, #tpu.memory_space<vmem_shared>>) target_semaphore(%run_scoped3A : memref<!tpu.dma_semaphore, #tpu.memory_space<semaphore_mem>>)
      %dma_wait3A_53 = arith.constant 0 : i32
      %dma_wait3A_54 = tpu.memref_slice %arg14[%mul3A_0, %dma_wait3A_53] : memref<10240x128xf32, #tpu.memory_space<vmem_shared>> -> memref<640x128xf32, #tpu.memory_space<vmem_shared>>
      tpu.wait_dma2 semaphore(%run_scoped3A : memref<!tpu.dma_semaphore, #tpu.memory_space<semaphore_mem>>) src(%arg6 : memref<640x128xf32, #tpu.memory_space<hbm>>) dst(%dma_wait3A_54 : memref<640x128xf32, #tpu.memory_space<vmem_shared>>)
      tpu.yield
    }) : () -> ()
    %barrier3A = arith.constant 0 : index
    tpu.barrier barrier_id(%barrier3A)
    %mul3A_1 = arith.constant 16 : i32
    %mul3A_2 = arith.muli %arg0, %mul3A_1 : i32
    %add3A = arith.addi %mul3A_2, %arg1 : i32
    %mul3A_3 = arith.constant 80 : i32
    %mul3A_4 = arith.muli %add3A, %mul3A_3 : i32
    %add3A_5 = arith.constant 0 : i32
    %add3A_6 = arith.addi %mul3A_4, %add3A_5 : i32
    %mul3A_7 = arith.constant 128 : i32
    %mul3A_8 = arith.muli %add3A_6, %mul3A_7 : i32
    %dma_start3A = tpu.memref_slice %arg4[%mul3A_8] : memref<327680xi32, #tpu.memory_space<hbm>> -> memref<128xi32, #tpu.memory_space<hbm>>
    %dma_start3A_9 = tpu.memref_slice %arg4[%mul3A_8] : memref<327680xi32, #tpu.memory_space<hbm>> -> memref<128xi32, #tpu.memory_space<hbm>>
    tpu.enqueue_dma source(%dma_start3A_9 : memref<128xi32, #tpu.memory_space<hbm>>) target(%arg8 : memref<128xi32, #tpu.memory_space<vmem>>) target_semaphore(%arg15 : memref<!tpu.dma_semaphore, #tpu.memory_space<semaphore_mem>>)
    %add3A_10 = arith.constant 0 : i32
    %add3A_11 = arith.addi %mul3A_4, %add3A_10 : i32
    %mul3A_12 = arith.constant 128 : i32
    %mul3A_13 = arith.muli %add3A_11, %mul3A_12 : i32
    %dma_start3A_14 = tpu.memref_slice %arg5[%mul3A_13] : memref<327680xi32, #tpu.memory_space<hbm>> -> memref<128xi32, #tpu.memory_space<hbm>>
    %dma_start3A_15 = tpu.memref_slice %arg5[%mul3A_13] : memref<327680xi32, #tpu.memory_space<hbm>> -> memref<128xi32, #tpu.memory_space<hbm>>
    tpu.enqueue_dma source(%dma_start3A_15 : memref<128xi32, #tpu.memory_space<hbm>>) target(%arg9 : memref<128xi32, #tpu.memory_space<vmem>>) target_semaphore(%arg16 : memref<!tpu.dma_semaphore, #tpu.memory_space<semaphore_mem>>)
    %add3A_16 = arith.constant 1 : i32
    %add3A_17 = arith.addi %mul3A_4, %add3A_16 : i32
    %mul3A_18 = arith.constant 128 : i32
    %mul3A_19 = arith.muli %add3A_17, %mul3A_18 : i32
    %dma_start3A_20 = tpu.memref_slice %arg4[%mul3A_19] : memref<327680xi32, #tpu.memory_space<hbm>> -> memref<128xi32, #tpu.memory_space<hbm>>
    %dma_start3A_21 = tpu.memref_slice %arg4[%mul3A_19] : memref<327680xi32, #tpu.memory_space<hbm>> -> memref<128xi32, #tpu.memory_space<hbm>>
    tpu.enqueue_dma source(%dma_start3A_21 : memref<128xi32, #tpu.memory_space<hbm>>) target(%arg10 : memref<128xi32, #tpu.memory_space<vmem>>) target_semaphore(%arg17 : memref<!tpu.dma_semaphore, #tpu.memory_space<semaphore_mem>>)
    %add3A_22 = arith.constant 1 : i32
    %add3A_23 = arith.addi %mul3A_4, %add3A_22 : i32
    %mul3A_24 = arith.constant 128 : i32
    %mul3A_25 = arith.muli %add3A_23, %mul3A_24 : i32
    %dma_start3A_26 = tpu.memref_slice %arg5[%mul3A_25] : memref<327680xi32, #tpu.memory_space<hbm>> -> memref<128xi32, #tpu.memory_space<hbm>>
    %dma_start3A_27 = tpu.memref_slice %arg5[%mul3A_25] : memref<327680xi32, #tpu.memory_space<hbm>> -> memref<128xi32, #tpu.memory_space<hbm>>
    tpu.enqueue_dma source(%dma_start3A_27 : memref<128xi32, #tpu.memory_space<hbm>>) target(%arg11 : memref<128xi32, #tpu.memory_space<vmem>>) target_semaphore(%arg18 : memref<!tpu.dma_semaphore, #tpu.memory_space<semaphore_mem>>)
    %dma_wait3A = arith.constant 0 : i32
    %dma_wait3A_28 = tpu.memref_slice %arg4[%dma_wait3A] : memref<327680xi32, #tpu.memory_space<hbm>> -> memref<128xi32, #tpu.memory_space<hbm>>
    %dma_wait3A_29 = arith.constant 0 : i32
    %dma_wait3A_30 = tpu.memref_slice %arg4[%dma_wait3A_29] : memref<327680xi32, #tpu.memory_space<hbm>> -> memref<128xi32, #tpu.memory_space<hbm>>
    tpu.wait_dma2 semaphore(%arg15 : memref<!tpu.dma_semaphore, #tpu.memory_space<semaphore_mem>>) src(%dma_wait3A_30 : memref<128xi32, #tpu.memory_space<hbm>>) dst(%arg8 : memref<128xi32, #tpu.memory_space<vmem>>)
    %dma_wait3A_31 = arith.constant 0 : i32
    %dma_wait3A_32 = tpu.memref_slice %arg5[%dma_wait3A_31] : memref<327680xi32, #tpu.memory_space<hbm>> -> memref<128xi32, #tpu.memory_space<hbm>>
    %dma_wait3A_33 = arith.constant 0 : i32
    %dma_wait3A_34 = tpu.memref_slice %arg5[%dma_wait3A_33] : memref<327680xi32, #tpu.memory_space<hbm>> -> memref<128xi32, #tpu.memory_space<hbm>>
    tpu.wait_dma2 semaphore(%arg16 : memref<!tpu.dma_semaphore, #tpu.memory_space<semaphore_mem>>) src(%dma_wait3A_34 : memref<128xi32, #tpu.memory_space<hbm>>) dst(%arg9 : memref<128xi32, #tpu.memory_space<vmem>>)
    %eq3A = arith.constant 0 : i32
    %eq3A_35 = arith.cmpi eq, %arg0, %eq3A : i32
    %convert_element_type3A = arith.extui %eq3A_35 : i1 to i32
    %cond3A = arith.constant 0 : i32
    %cond3A_36 = arith.cmpi ne, %convert_element_type3A, %cond3A : i32
    scf.if %cond3A_36 {
      %dma_start3A_51 = arith.constant 0 : i32
      %dma_start3A_52 = arith.constant 0 : i32
      %dma_start3A_53 = tpu.memref_slice %arg2[%dma_start3A_51, %dma_start3A_52] : memref<10000x128xf32, #tpu.memory_space<hbm>> -> memref<10000x128xf32, #tpu.memory_space<hbm>>
      tpu.enqueue_indirect_dma source(%dma_start3A_53 : memref<10000x128xf32, #tpu.memory_space<hbm>>) target(%arg12 : memref<128x128xf32, #tpu.memory_space<vmem>>) offsets(%arg8 : memref<128xi32, #tpu.memory_space<vmem>>) semaphore(%arg19 : memref<!tpu.dma_semaphore, #tpu.memory_space<semaphore_mem>>)
    } else {
    }
    %eq3A_37 = arith.constant 1 : i32
    %eq3A_38 = arith.cmpi eq, %arg0, %eq3A_37 : i32
    %convert_element_type3A_39 = arith.extui %eq3A_38 : i1 to i32
    %cond3A_40 = arith.constant 0 : i32
    %cond3A_41 = arith.cmpi ne, %convert_element_type3A_39, %cond3A_40 : i32
    scf.if %cond3A_41 {
      %dma_start3A_51 = arith.constant 0 : i32
      %dma_start3A_52 = arith.constant 0 : i32
      %dma_start3A_53 = tpu.memref_slice %arg3[%dma_start3A_51, %dma_start3A_52] : memref<10000x128xf32, #tpu.memory_space<hbm>> -> memref<10000x128xf32, #tpu.memory_space<hbm>>
      tpu.enqueue_indirect_dma source(%dma_start3A_53 : memref<10000x128xf32, #tpu.memory_space<hbm>>) target(%arg12 : memref<128x128xf32, #tpu.memory_space<vmem>>) offsets(%arg8 : memref<128xi32, #tpu.memory_space<vmem>>) semaphore(%arg19 : memref<!tpu.dma_semaphore, #tpu.memory_space<semaphore_mem>>)
    } else {
    }
    %scan3A = arith.constant 0 : i32
    %scan3A_42 = arith.constant 40 : i32
    %scan3A_43 = arith.addi %scan3A, %scan3A_42 : i32
    %scan3A_44 = arith.constant 1 : i32
    scf.for %scan3A_51 = %scan3A to %scan3A_43 step %scan3A_44  : i32 {
      %mul3A_52 = arith.constant 2 : i32
      %mul3A_53 = arith.muli %scan3A_51, %mul3A_52 : i32
      %add3A_54 = arith.constant 0 : i32
      %add3A_55 = arith.addi %add3A_54, %mul3A_53 : i32
      %dma_wait3A_56 = arith.constant 0 : i32
      %dma_wait3A_57 = tpu.memref_slice %arg4[%dma_wait3A_56] : memref<327680xi32, #tpu.memory_space<hbm>> -> memref<128xi32, #tpu.memory_space<hbm>>
      %dma_wait3A_58 = arith.constant 0 : i32
      %dma_wait3A_59 = tpu.memref_slice %arg4[%dma_wait3A_58] : memref<327680xi32, #tpu.memory_space<hbm>> -> memref<128xi32, #tpu.memory_space<hbm>>
      tpu.wait_dma2 semaphore(%arg17 : memref<!tpu.dma_semaphore, #tpu.memory_space<semaphore_mem>>) src(%dma_wait3A_59 : memref<128xi32, #tpu.memory_space<hbm>>) dst(%arg10 : memref<128xi32, #tpu.memory_space<vmem>>)
      %dma_wait3A_60 = arith.constant 0 : i32
      %dma_wait3A_61 = tpu.memref_slice %arg5[%dma_wait3A_60] : memref<327680xi32, #tpu.memory_space<hbm>> -> memref<128xi32, #tpu.memory_space<hbm>>
      %dma_wait3A_62 = arith.constant 0 : i32
      %dma_wait3A_63 = tpu.memref_slice %arg5[%dma_wait3A_62] : memref<327680xi32, #tpu.memory_space<hbm>> -> memref<128xi32, #tpu.memory_space<hbm>>
      tpu.wait_dma2 semaphore(%arg18 : memref<!tpu.dma_semaphore, #tpu.memory_space<semaphore_mem>>) src(%dma_wait3A_63 : memref<128xi32, #tpu.memory_space<hbm>>) dst(%arg11 : memref<128xi32, #tpu.memory_space<vmem>>)
      %eq3A_64 = arith.constant 0 : i32
      %eq3A_65 = arith.cmpi eq, %arg0, %eq3A_64 : i32
      %convert_element_type3A_66 = arith.extui %eq3A_65 : i1 to i32
      %cond3A_67 = arith.constant 0 : i32
      %cond3A_68 = arith.cmpi ne, %convert_element_type3A_66, %cond3A_67 : i32
      scf.if %cond3A_68 {
        %dma_start3A_100 = arith.constant 0 : i32
        %dma_start3A_101 = arith.constant 0 : i32
        %dma_start3A_102 = tpu.memref_slice %arg2[%dma_start3A_100, %dma_start3A_101] : memref<10000x128xf32, #tpu.memory_space<hbm>> -> memref<10000x128xf32, #tpu.memory_space<hbm>>
        tpu.enqueue_indirect_dma source(%dma_start3A_102 : memref<10000x128xf32, #tpu.memory_space<hbm>>) target(%arg13 : memref<128x128xf32, #tpu.memory_space<vmem>>) offsets(%arg10 : memref<128xi32, #tpu.memory_space<vmem>>) semaphore(%arg20 : memref<!tpu.dma_semaphore, #tpu.memory_space<semaphore_mem>>)
      } else {
      }
      %eq3A_69 = arith.constant 1 : i32
      %eq3A_70 = arith.cmpi eq, %arg0, %eq3A_69 : i32
      %convert_element_type3A_71 = arith.extui %eq3A_70 : i1 to i32
      %cond3A_72 = arith.constant 0 : i32
      %cond3A_73 = arith.cmpi ne, %convert_element_type3A_71, %cond3A_72 : i32
      scf.if %cond3A_73 {
        %dma_start3A_100 = arith.constant 0 : i32
        %dma_start3A_101 = arith.constant 0 : i32
        %dma_start3A_102 = tpu.memref_slice %arg3[%dma_start3A_100, %dma_start3A_101] : memref<10000x128xf32, #tpu.memory_space<hbm>> -> memref<10000x128xf32, #tpu.memory_space<hbm>>
        tpu.enqueue_indirect_dma source(%dma_start3A_102 : memref<10000x128xf32, #tpu.memory_space<hbm>>) target(%arg13 : memref<128x128xf32, #tpu.memory_space<vmem>>) offsets(%arg10 : memref<128xi32, #tpu.memory_space<vmem>>) semaphore(%arg20 : memref<!tpu.dma_semaphore, #tpu.memory_space<semaphore_mem>>)
      } else {
      }
      %dma_wait3A_74 = arith.constant 0 : i32
      %dma_wait3A_75 = arith.constant 0 : i32
      %dma_wait3A_76 = tpu.memref_slice %arg2[%dma_wait3A_74, %dma_wait3A_75] : memref<10000x128xf32, #tpu.memory_space<hbm>> -> memref<10000x128xf32, #tpu.memory_space<hbm>>
      tpu.wait_indirect_dma semaphore(%arg19 : memref<!tpu.dma_semaphore, #tpu.memory_space<semaphore_mem>>) src(%dma_wait3A_76 : memref<10000x128xf32, #tpu.memory_space<hbm>>) dst(%arg12 : memref<128x128xf32, #tpu.memory_space<vmem>>)
      "tpu.region"() ({
        %run_scoped3A = tpu.sem_alloc : memref<!tpu.dma_semaphore, #tpu.memory_space<semaphore_mem>>
        %dma_start3A_100 = arith.constant 0 : i32
        %dma_start3A_101 = arith.constant 0 : i32
        %dma_start3A_102 = tpu.memref_slice %arg14[%dma_start3A_100, %dma_start3A_101] : memref<10240x128xf32, #tpu.memory_space<vmem_shared>> -> memref<10240x128xf32, #tpu.memory_space<vmem_shared>>
        tpu.enqueue_indirect_dma source(%arg12 : memref<128x128xf32, #tpu.memory_space<vmem>>) target(%dma_start3A_102 : memref<10240x128xf32, #tpu.memory_space<vmem_shared>>) offsets(%arg9 : memref<128xi32, #tpu.memory_space<vmem>>) semaphore(%run_scoped3A : memref<!tpu.dma_semaphore, #tpu.memory_space<semaphore_mem>>) {add = true}
        %dma_wait3A_103 = arith.constant 0 : i32
        %dma_wait3A_104 = arith.constant 0 : i32
        %dma_wait3A_105 = tpu.memref_slice %arg14[%dma_wait3A_103, %dma_wait3A_104] : memref<10240x128xf32, #tpu.memory_space<vmem_shared>> -> memref<10240x128xf32, #tpu.memory_space<vmem_shared>>
        tpu.wait_indirect_dma semaphore(%run_scoped3A : memref<!tpu.dma_semaphore, #tpu.memory_space<semaphore_mem>>) src(%arg12 : memref<128x128xf32, #tpu.memory_space<vmem>>) dst(%dma_wait3A_105 : memref<10240x128xf32, #tpu.memory_space<vmem_shared>>)
        tpu.yield
      }) : () -> ()
      %add3A_77 = arith.constant 2 : i32
      %add3A_78 = arith.addi %add3A_55, %add3A_77 : i32
      %lt3A = arith.constant 80 : i32
      %lt3A_79 = arith.cmpi slt, %add3A_78, %lt3A : i32
      %convert_element_type3A_80 = arith.extui %lt3A_79 : i1 to i32
      %cond3A_81 = arith.constant 0 : i32
      %cond3A_82 = arith.cmpi ne, %convert_element_type3A_80, %cond3A_81 : i32
      scf.if %cond3A_82 {
        %add3A_100 = arith.constant 2 : i32
        %add3A_101 = arith.addi %add3A_55, %add3A_100 : i32
        %add3A_102 = arith.addi %mul3A_4, %add3A_101 : i32
        %mul3A_103 = arith.constant 128 : i32
        %mul3A_104 = arith.muli %add3A_102, %mul3A_103 : i32
        %dma_start3A_105 = tpu.memref_slice %arg4[%mul3A_104] : memref<327680xi32, #tpu.memory_space<hbm>> -> memref<128xi32, #tpu.memory_space<hbm>>
        %dma_start3A_106 = tpu.memref_slice %arg4[%mul3A_104] : memref<327680xi32, #tpu.memory_space<hbm>> -> memref<128xi32, #tpu.memory_space<hbm>>
        tpu.enqueue_dma source(%dma_start3A_106 : memref<128xi32, #tpu.memory_space<hbm>>) target(%arg8 : memref<128xi32, #tpu.memory_space<vmem>>) target_semaphore(%arg15 : memref<!tpu.dma_semaphore, #tpu.memory_space<semaphore_mem>>)
        %add3A_107 = arith.addi %mul3A_4, %add3A_101 : i32
        %mul3A_108 = arith.constant 128 : i32
        %mul3A_109 = arith.muli %add3A_107, %mul3A_108 : i32
        %dma_start3A_110 = tpu.memref_slice %arg5[%mul3A_109] : memref<327680xi32, #tpu.memory_space<hbm>> -> memref<128xi32, #tpu.memory_space<hbm>>
        %dma_start3A_111 = tpu.memref_slice %arg5[%mul3A_109] : memref<327680xi32, #tpu.memory_space<hbm>> -> memref<128xi32, #tpu.memory_space<hbm>>
        tpu.enqueue_dma source(%dma_start3A_111 : memref<128xi32, #tpu.memory_space<hbm>>) target(%arg9 : memref<128xi32, #tpu.memory_space<vmem>>) target_semaphore(%arg16 : memref<!tpu.dma_semaphore, #tpu.memory_space<semaphore_mem>>)
      } else {
      }
      %dma_wait3A_83 = arith.constant 0 : i32
      %dma_wait3A_84 = arith.constant 0 : i32
      %dma_wait3A_85 = tpu.memref_slice %arg2[%dma_wait3A_83, %dma_wait3A_84] : memref<10000x128xf32, #tpu.memory_space<hbm>> -> memref<10000x128xf32, #tpu.memory_space<hbm>>
      tpu.wait_indirect_dma semaphore(%arg20 : memref<!tpu.dma_semaphore, #tpu.memory_space<semaphore_mem>>) src(%dma_wait3A_85 : memref<10000x128xf32, #tpu.memory_space<hbm>>) dst(%arg13 : memref<128x128xf32, #tpu.memory_space<vmem>>)
      "tpu.region"() ({
        %run_scoped3A = tpu.sem_alloc : memref<!tpu.dma_semaphore, #tpu.memory_space<semaphore_mem>>
        %dma_start3A_100 = arith.constant 0 : i32
        %dma_start3A_101 = arith.constant 0 : i32
        %dma_start3A_102 = tpu.memref_slice %arg14[%dma_start3A_100, %dma_start3A_101] : memref<10240x128xf32, #tpu.memory_space<vmem_shared>> -> memref<10240x128xf32, #tpu.memory_space<vmem_shared>>
        tpu.enqueue_indirect_dma source(%arg13 : memref<128x128xf32, #tpu.memory_space<vmem>>) target(%dma_start3A_102 : memref<10240x128xf32, #tpu.memory_space<vmem_shared>>) offsets(%arg11 : memref<128xi32, #tpu.memory_space<vmem>>) semaphore(%run_scoped3A : memref<!tpu.dma_semaphore, #tpu.memory_space<semaphore_mem>>) {add = true}
        %dma_wait3A_103 = arith.constant 0 : i32
        %dma_wait3A_104 = arith.constant 0 : i32
        %dma_wait3A_105 = tpu.memref_slice %arg14[%dma_wait3A_103, %dma_wait3A_104] : memref<10240x128xf32, #tpu.memory_space<vmem_shared>> -> memref<10240x128xf32, #tpu.memory_space<vmem_shared>>
        tpu.wait_indirect_dma semaphore(%run_scoped3A : memref<!tpu.dma_semaphore, #tpu.memory_space<semaphore_mem>>) src(%arg13 : memref<128x128xf32, #tpu.memory_space<vmem>>) dst(%dma_wait3A_105 : memref<10240x128xf32, #tpu.memory_space<vmem_shared>>)
        tpu.yield
      }) : () -> ()
      %add3A_86 = arith.constant 3 : i32
      %add3A_87 = arith.addi %add3A_55, %add3A_86 : i32
      %lt3A_88 = arith.constant 80 : i32
      %lt3A_89 = arith.cmpi slt, %add3A_87, %lt3A_88 : i32
      %convert_element_type3A_90 = arith.extui %lt3A_89 : i1 to i32
      %cond3A_91 = arith.constant 0 : i32
      %cond3A_92 = arith.cmpi ne, %convert_element_type3A_90, %cond3A_91 : i32
      scf.if %cond3A_92 {
        %add3A_100 = arith.constant 3 : i32
        %add3A_101 = arith.addi %add3A_55, %add3A_100 : i32
        %add3A_102 = arith.addi %mul3A_4, %add3A_101 : i32
        %mul3A_103 = arith.constant 128 : i32
        %mul3A_104 = arith.muli %add3A_102, %mul3A_103 : i32
        %dma_start3A_105 = tpu.memref_slice %arg4[%mul3A_104] : memref<327680xi32, #tpu.memory_space<hbm>> -> memref<128xi32, #tpu.memory_space<hbm>>
        %dma_start3A_106 = tpu.memref_slice %arg4[%mul3A_104] : memref<327680xi32, #tpu.memory_space<hbm>> -> memref<128xi32, #tpu.memory_space<hbm>>
        tpu.enqueue_dma source(%dma_start3A_106 : memref<128xi32, #tpu.memory_space<hbm>>) target(%arg10 : memref<128xi32, #tpu.memory_space<vmem>>) target_semaphore(%arg17 : memref<!tpu.dma_semaphore, #tpu.memory_space<semaphore_mem>>)
        %add3A_107 = arith.addi %mul3A_4, %add3A_101 : i32
        %mul3A_108 = arith.constant 128 : i32
        %mul3A_109 = arith.muli %add3A_107, %mul3A_108 : i32
        %dma_start3A_110 = tpu.memref_slice %arg5[%mul3A_109] : memref<327680xi32, #tpu.memory_space<hbm>> -> memref<128xi32, #tpu.memory_space<hbm>>
        %dma_start3A_111 = tpu.memref_slice %arg5[%mul3A_109] : memref<327680xi32, #tpu.memory_space<hbm>> -> memref<128xi32, #tpu.memory_space<hbm>>
        tpu.enqueue_dma source(%dma_start3A_111 : memref<128xi32, #tpu.memory_space<hbm>>) target(%arg11 : memref<128xi32, #tpu.memory_space<vmem>>) target_semaphore(%arg18 : memref<!tpu.dma_semaphore, #tpu.memory_space<semaphore_mem>>)
      } else {
      }
      %add3A_93 = arith.constant 2 : i32
      %add3A_94 = arith.addi %add3A_55, %add3A_93 : i32
      %lt3A_95 = arith.constant 80 : i32
      %lt3A_96 = arith.cmpi slt, %add3A_94, %lt3A_95 : i32
      %convert_element_type3A_97 = arith.extui %lt3A_96 : i1 to i32
      %cond3A_98 = arith.constant 0 : i32
      %cond3A_99 = arith.cmpi ne, %convert_element_type3A_97, %cond3A_98 : i32
      scf.if %cond3A_99 {
        %dma_wait3A_100 = arith.constant 0 : i32
        %dma_wait3A_101 = tpu.memref_slice %arg4[%dma_wait3A_100] : memref<327680xi32, #tpu.memory_space<hbm>> -> memref<128xi32, #tpu.memory_space<hbm>>
        %dma_wait3A_102 = arith.constant 0 : i32
        %dma_wait3A_103 = tpu.memref_slice %arg4[%dma_wait3A_102] : memref<327680xi32, #tpu.memory_space<hbm>> -> memref<128xi32, #tpu.memory_space<hbm>>
        tpu.wait_dma2 semaphore(%arg15 : memref<!tpu.dma_semaphore, #tpu.memory_space<semaphore_mem>>) src(%dma_wait3A_103 : memref<128xi32, #tpu.memory_space<hbm>>) dst(%arg8 : memref<128xi32, #tpu.memory_space<vmem>>)
        %dma_wait3A_104 = arith.constant 0 : i32
        %dma_wait3A_105 = tpu.memref_slice %arg5[%dma_wait3A_104] : memref<327680xi32, #tpu.memory_space<hbm>> -> memref<128xi32, #tpu.memory_space<hbm>>
        %dma_wait3A_106 = arith.constant 0 : i32
        %dma_wait3A_107 = tpu.memref_slice %arg5[%dma_wait3A_106] : memref<327680xi32, #tpu.memory_space<hbm>> -> memref<128xi32, #tpu.memory_space<hbm>>
        tpu.wait_dma2 semaphore(%arg16 : memref<!tpu.dma_semaphore, #tpu.memory_space<semaphore_mem>>) src(%dma_wait3A_107 : memref<128xi32, #tpu.memory_space<hbm>>) dst(%arg9 : memref<128xi32, #tpu.memory_space<vmem>>)
        %eq3A_108 = arith.constant 0 : i32
        %eq3A_109 = arith.cmpi eq, %arg0, %eq3A_108 : i32
        %convert_element_type3A_110 = arith.extui %eq3A_109 : i1 to i32
        %cond3A_111 = arith.constant 0 : i32
        %cond3A_112 = arith.cmpi ne, %convert_element_type3A_110, %cond3A_111 : i32
        scf.if %cond3A_112 {
          %dma_start3A_118 = arith.constant 0 : i32
          %dma_start3A_119 = arith.constant 0 : i32
          %dma_start3A_120 = tpu.memref_slice %arg2[%dma_start3A_118, %dma_start3A_119] : memref<10000x128xf32, #tpu.memory_space<hbm>> -> memref<10000x128xf32, #tpu.memory_space<hbm>>
          tpu.enqueue_indirect_dma source(%dma_start3A_120 : memref<10000x128xf32, #tpu.memory_space<hbm>>) target(%arg12 : memref<128x128xf32, #tpu.memory_space<vmem>>) offsets(%arg8 : memref<128xi32, #tpu.memory_space<vmem>>) semaphore(%arg19 : memref<!tpu.dma_semaphore, #tpu.memory_space<semaphore_mem>>)
        } else {
        }
        %eq3A_113 = arith.constant 1 : i32
        %eq3A_114 = arith.cmpi eq, %arg0, %eq3A_113 : i32
        %convert_element_type3A_115 = arith.extui %eq3A_114 : i1 to i32
        %cond3A_116 = arith.constant 0 : i32
        %cond3A_117 = arith.cmpi ne, %convert_element_type3A_115, %cond3A_116 : i32
        scf.if %cond3A_117 {
          %dma_start3A_118 = arith.constant 0 : i32
          %dma_start3A_119 = arith.constant 0 : i32
          %dma_start3A_120 = tpu.memref_slice %arg3[%dma_start3A_118, %dma_start3A_119] : memref<10000x128xf32, #tpu.memory_space<hbm>> -> memref<10000x128xf32, #tpu.memory_space<hbm>>
          tpu.enqueue_indirect_dma source(%dma_start3A_120 : memref<10000x128xf32, #tpu.memory_space<hbm>>) target(%arg12 : memref<128x128xf32, #tpu.memory_space<vmem>>) offsets(%arg8 : memref<128xi32, #tpu.memory_space<vmem>>) semaphore(%arg19 : memref<!tpu.dma_semaphore, #tpu.memory_space<semaphore_mem>>)
        } else {
        }
      } else {
      }
    }
    %scan3A_45 = arith.constant 40 : i32
    %barrier3A_46 = arith.constant 0 : index
    tpu.barrier barrier_id(%barrier3A_46)
    %mul3A_47 = arith.constant 640 : i32
    %mul3A_48 = arith.muli %arg1, %mul3A_47 : i32
    %mul3A_49 = arith.constant 640 : i32
    %mul3A_50 = arith.muli %arg1, %mul3A_49 : i32
    "tpu.region"() ({
      %run_scoped3A = tpu.sem_alloc : memref<!tpu.dma_semaphore, #tpu.memory_space<semaphore_mem>>
      %dma_start3A_51 = arith.constant 0 : i32
      %dma_start3A_52 = arith.constant 0 : i32
      %dma_start3A_53 = tpu.memref_slice %arg7[%arg0, %dma_start3A_51, %dma_start3A_52] : memref<2x10240x128xf32, #tpu.memory_space<hbm>> -> memref<1x10240x128xf32, #tpu.memory_space<hbm>>
      %dma_start3A_54 = tpu.memref_squeeze %dma_start3A_53 : memref<1x10240x128xf32, #tpu.memory_space<hbm>> -> memref<10240x128xf32, #tpu.memory_space<hbm>>
      %dma_start3A_55 = arith.constant 0 : i32
      %dma_start3A_56 = tpu.memref_slice %dma_start3A_54[%mul3A_50, %dma_start3A_55] : memref<10240x128xf32, #tpu.memory_space<hbm>> -> memref<640x128xf32, #tpu.memory_space<hbm>>
      %dma_start3A_57 = arith.constant 0 : i32
      %dma_start3A_58 = tpu.memref_slice %arg14[%mul3A_48, %dma_start3A_57] : memref<10240x128xf32, #tpu.memory_space<vmem_shared>> -> memref<640x128xf32, #tpu.memory_space<vmem_shared>>
      tpu.enqueue_dma source(%dma_start3A_58 : memref<640x128xf32, #tpu.memory_space<vmem_shared>>) target(%dma_start3A_56 : memref<640x128xf32, #tpu.memory_space<hbm>>) target_semaphore(%run_scoped3A : memref<!tpu.dma_semaphore, #tpu.memory_space<semaphore_mem>>)
      %dma_wait3A_59 = arith.constant 0 : i32
      %dma_wait3A_60 = arith.constant 0 : i32
      %dma_wait3A_61 = tpu.memref_slice %arg7[%arg0, %dma_wait3A_59, %dma_wait3A_60] : memref<2x10240x128xf32, #tpu.memory_space<hbm>> -> memref<1x10240x128xf32, #tpu.memory_space<hbm>>
      %dma_wait3A_62 = tpu.memref_squeeze %dma_wait3A_61 : memref<1x10240x128xf32, #tpu.memory_space<hbm>> -> memref<10240x128xf32, #tpu.memory_space<hbm>>
      %dma_wait3A_63 = arith.constant 0 : i32
      %dma_wait3A_64 = tpu.memref_slice %dma_wait3A_62[%mul3A_50, %dma_wait3A_63] : memref<10240x128xf32, #tpu.memory_space<hbm>> -> memref<640x128xf32, #tpu.memory_space<hbm>>
      %dma_wait3A_65 = arith.constant 0 : i32
      %dma_wait3A_66 = tpu.memref_slice %arg14[%mul3A_48, %dma_wait3A_65] : memref<10240x128xf32, #tpu.memory_space<vmem_shared>> -> memref<640x128xf32, #tpu.memory_space<vmem_shared>>
      tpu.wait_dma2 semaphore(%run_scoped3A : memref<!tpu.dma_semaphore, #tpu.memory_space<semaphore_mem>>) src(%dma_wait3A_66 : memref<640x128xf32, #tpu.memory_space<vmem_shared>>) dst(%dma_wait3A_64 : memref<640x128xf32, #tpu.memory_space<hbm>>)
      tpu.yield
    }) : () -> ()
    return
  }
}

module attributes {stable_mosaic.version = 14 : i64} {
  func.func @body(%arg0: i32, %arg1: memref<2x2000x128xf32, #tpu.memory_space<vmem>>, %arg2: memref<2000x128xf32, #tpu.memory_space<vmem>>, %arg3: memref<2000x1xf32, #tpu.memory_space<vmem>>, %arg4: memref<2000x128xf32, #tpu.memory_space<vmem>>) attributes {dimension_semantics = [#tpu.dimension_semantics<arbitrary>], iteration_bounds = array<i64: 5>, scalar_prefetch = 0 : i64, scratch_operands = 0 : i64, tpu.core_type = #tpu.core_type<tc>, window_params = [{transform_indices = @transform_0, window_bounds = array<i64: 2, 2000, 128>}, {transform_indices = @transform_1, window_bounds = array<i64: 2000, 128>}, {transform_indices = @transform_2, window_bounds = array<i64: 2000, 1>}, {transform_indices = @transform_3, window_bounds = array<i64: 2000, 128>}]} {
    %get3A = arith.constant 0 : index
    %get3A_0 = arith.constant 0 : index
    %get3A_1 = arith.constant 0 : index
    %get3A_2 = vector.load %arg1[%get3A, %get3A_0, %get3A_1] : memref<2x2000x128xf32, #tpu.memory_space<vmem>>, vector<1x2000x1xf32>
    %get3A_3 = vector.shape_cast %get3A_2 : vector<1x2000x1xf32> to vector<2000x1xf32>
    %get3A_4 = arith.constant 1 : index
    %get3A_5 = arith.constant 0 : index
    %get3A_6 = arith.constant 0 : index
    %get3A_7 = vector.load %arg1[%get3A_4, %get3A_5, %get3A_6] : memref<2x2000x128xf32, #tpu.memory_space<vmem>>, vector<1x2000x1xf32>
    %get3A_8 = vector.shape_cast %get3A_7 : vector<1x2000x1xf32> to vector<2000x1xf32>
    %add3A = arith.addf %get3A_3, %get3A_8 : vector<2000x1xf32>
    %add3A_9 = arith.constant 1.000000e+00 : f32
    %add3A_10 = vector.broadcast %add3A_9 : f32 to vector<2000x1xf32>
    %add3A_11 = arith.addf %add3A, %add3A_10 : vector<2000x1xf32>
    %rsqrt3A = math.rsqrt %add3A_11 : vector<2000x1xf32>
    %swap3A = arith.constant 0 : index
    %swap3A_12 = arith.constant 0 : index
    %swap3A_13 = vector.load %arg3[%swap3A, %swap3A_12] : memref<2000x1xf32, #tpu.memory_space<vmem>>, vector<2000x1xf32>
    tpu.vector_store %arg3[%swap3A, %swap3A_12], %rsqrt3A {strides = array<i32>} : memref<2000x1xf32, #tpu.memory_space<vmem>>, vector<2000x1xf32>,
    %get3A_14 = arith.constant 0 : index
    %get3A_15 = arith.constant 0 : index
    %get3A_16 = vector.load %arg2[%get3A_14, %get3A_15] : memref<2000x128xf32, #tpu.memory_space<vmem>>, vector<2000x128xf32>
    %mul3A = vector.broadcast %rsqrt3A : vector<2000x1xf32> to vector<2000x128xf32>
    %mul3A_17 = arith.mulf %get3A_16, %mul3A : vector<2000x128xf32>
    %swap3A_18 = arith.constant 0 : index
    %swap3A_19 = arith.constant 0 : index
    %swap3A_20 = vector.load %arg4[%swap3A_18, %swap3A_19] : memref<2000x128xf32, #tpu.memory_space<vmem>>, vector<2000x128xf32>
    tpu.vector_store %arg4[%swap3A_18, %swap3A_19], %mul3A_17 {strides = array<i32>} : memref<2000x128xf32, #tpu.memory_space<vmem>>, vector<2000x128xf32>,
    return
  }
  func.func @transform_0(%arg0: i32) -> (i32, i32, i32) {
    %c0_i32 = arith.constant 0 : i32
    %c0_i32_0 = arith.constant 0 : i32
    %c0_i32_1 = arith.constant 0 : i32
    return %c0_i32, %arg0, %c0_i32_0 : i32, i32, i32
  }
  func.func @transform_1(%arg0: i32) -> (i32, i32) {
    %c0_i32 = arith.constant 0 : i32
    %c0_i32_0 = arith.constant 0 : i32
    return %arg0, %c0_i32 : i32, i32
  }
  func.func @transform_2(%arg0: i32) -> (i32, i32) {
    %c0_i32 = arith.constant 0 : i32
    %c0_i32_0 = arith.constant 0 : i32
    return %arg0, %c0_i32 : i32, i32
  }
  func.func @transform_3(%arg0: i32) -> (i32, i32) {
    %c0_i32 = arith.constant 0 : i32
    %c0_i32_0 = arith.constant 0 : i32
    return %arg0, %c0_i32 : i32, i32
  }
}

module attributes {stable_mosaic.version = 14 : i64} {
  func.func @body(%arg0: i32, %arg1: memref<2x1000x128xf32, #tpu.memory_space<vmem>>, %arg2: memref<1000x128xf32, #tpu.memory_space<vmem>>, %arg3: memref<1000x1xf32, #tpu.memory_space<vmem>>, %arg4: memref<128x256xf32, #tpu.memory_space<vmem>>, %arg5: memref<1x256xf32, #tpu.memory_space<vmem>>, %arg6: memref<1000x128xf32, #tpu.memory_space<vmem>>, %arg7: memref<1000x128xf32, #tpu.memory_space<vmem>>) attributes {dimension_semantics = [#tpu.dimension_semantics<arbitrary>], iteration_bounds = array<i64: 10>, scalar_prefetch = 0 : i64, scratch_operands = 0 : i64, tpu.core_type = #tpu.core_type<tc>, window_params = [{transform_indices = @transform_0, window_bounds = array<i64: 2, 1000, 128>}, {transform_indices = @transform_1, window_bounds = array<i64: 1000, 128>}, {transform_indices = @transform_2, window_bounds = array<i64: 1000, 1>}, {pipeline_mode = #tpu.pipeline_mode<synchronous>, transform_indices = @transform_3, window_bounds = array<i64: 128, 256>}, {pipeline_mode = #tpu.pipeline_mode<synchronous>, transform_indices = @transform_4, window_bounds = array<i64: 1, 256>}, {transform_indices = @transform_5, window_bounds = array<i64: 1000, 128>}, {transform_indices = @transform_6, window_bounds = array<i64: 1000, 128>}]} {
    %get3A = arith.constant 0 : index
    %get3A_0 = arith.constant 0 : index
    %get3A_1 = vector.load %arg3[%get3A, %get3A_0] : memref<1000x1xf32, #tpu.memory_space<vmem>>, vector<1000x1xf32>
    %get3A_2 = arith.constant 0 : index
    %get3A_3 = arith.constant 0 : index
    %get3A_4 = arith.constant 0 : index
    %get3A_5 = vector.load %arg1[%get3A_2, %get3A_3, %get3A_4] : memref<2x1000x128xf32, #tpu.memory_space<vmem>>, vector<1x1000x128xf32>
    %get3A_6 = vector.shape_cast %get3A_5 : vector<1x1000x128xf32> to vector<1000x128xf32>
    %get3A_7 = arith.constant 1 : index
    %get3A_8 = arith.constant 0 : index
    %get3A_9 = arith.constant 0 : index
    %get3A_10 = vector.load %arg1[%get3A_7, %get3A_8, %get3A_9] : memref<2x1000x128xf32, #tpu.memory_space<vmem>>, vector<1x1000x128xf32>
    %get3A_11 = vector.shape_cast %get3A_10 : vector<1x1000x128xf32> to vector<1000x128xf32>
    %add3A = arith.addf %get3A_6, %get3A_11 : vector<1000x128xf32>
    %get3A_12 = arith.constant 0 : index
    %get3A_13 = arith.constant 0 : index
    %get3A_14 = vector.load %arg2[%get3A_12, %get3A_13] : memref<1000x128xf32, #tpu.memory_space<vmem>>, vector<1000x128xf32>
    %add3A_15 = arith.addf %add3A, %get3A_14 : vector<1000x128xf32>
    %mul3A = vector.broadcast %get3A_1 : vector<1000x1xf32> to vector<1000x128xf32>
    %mul3A_16 = arith.mulf %add3A_15, %mul3A : vector<1000x128xf32>
    %get3A_17 = arith.constant 0 : index
    %get3A_18 = arith.constant 0 : index
    %get3A_19 = vector.load %arg4[%get3A_17, %get3A_18] : memref<128x256xf32, #tpu.memory_space<vmem>>, vector<128x256xf32>
    %dot_general3A = arith.constant dense<0.000000e+00> : vector<1000x256xf32>
    %dot_general3A_20 = tpu.matmul %mul3A_16, %get3A_19, %dot_general3A {dimension_numbers = #tpu.dot_dimension_numbers<[1], [0], [0], [1], [0, 0, 1, 1], [], []>, precision = #tpu.contract_precision<fp32>, transpose_lhs_hint = false} : vector<1000x128xf32>, vector<128x256xf32>, vector<1000x256xf32> -> vector<1000x256xf32>
    %get3A_21 = arith.constant 0 : index
    %get3A_22 = arith.constant 0 : index
    %get3A_23 = vector.load %arg5[%get3A_21, %get3A_22] : memref<1x256xf32, #tpu.memory_space<vmem>>, vector<1x256xf32>
    %add3A_24 = vector.broadcast %get3A_23 : vector<1x256xf32> to vector<1000x256xf32>
    %add3A_25 = arith.addf %dot_general3A_20, %add3A_24 : vector<1000x256xf32>
    %max3A = arith.constant 0.000000e+00 : f32
    %max3A_26 = vector.broadcast %max3A : f32 to vector<1000x256xf32>
    %max3A_27 = arith.maximumf %add3A_25, %max3A_26 : vector<1000x256xf32>
    %mul3A_28 = vector.broadcast %get3A_1 : vector<1000x1xf32> to vector<1000x256xf32>
    %mul3A_29 = arith.mulf %max3A_27, %mul3A_28 : vector<1000x256xf32>
    %slice3A = vector.extract_strided_slice %mul3A_29 {offsets = [0, 0], sizes = [1000, 128], strides = [1, 1]} : vector<1000x256xf32> to vector<1000x128xf32>
    %swap3A = arith.constant 0 : index
    %swap3A_30 = arith.constant 0 : index
    %swap3A_31 = vector.load %arg6[%swap3A, %swap3A_30] : memref<1000x128xf32, #tpu.memory_space<vmem>>, vector<1000x128xf32>
    tpu.vector_store %arg6[%swap3A, %swap3A_30], %slice3A {strides = array<i32>} : memref<1000x128xf32, #tpu.memory_space<vmem>>, vector<1000x128xf32>,
    %slice3A_32 = vector.extract_strided_slice %mul3A_29 {offsets = [0, 128], sizes = [1000, 128], strides = [1, 1]} : vector<1000x256xf32> to vector<1000x128xf32>
    %swap3A_33 = arith.constant 0 : index
    %swap3A_34 = arith.constant 0 : index
    %swap3A_35 = vector.load %arg7[%swap3A_33, %swap3A_34] : memref<1000x128xf32, #tpu.memory_space<vmem>>, vector<1000x128xf32>
    tpu.vector_store %arg7[%swap3A_33, %swap3A_34], %slice3A_32 {strides = array<i32>} : memref<1000x128xf32, #tpu.memory_space<vmem>>, vector<1000x128xf32>,
    return
  }
  func.func @transform_0(%arg0: i32) -> (i32, i32, i32) {
    %c0_i32 = arith.constant 0 : i32
    %c0_i32_0 = arith.constant 0 : i32
    %c0_i32_1 = arith.constant 0 : i32
    return %c0_i32, %arg0, %c0_i32_0 : i32, i32, i32
  }
  func.func @transform_1(%arg0: i32) -> (i32, i32) {
    %c0_i32 = arith.constant 0 : i32
    %c0_i32_0 = arith.constant 0 : i32
    return %arg0, %c0_i32 : i32, i32
  }
  func.func @transform_2(%arg0: i32) -> (i32, i32) {
    %c0_i32 = arith.constant 0 : i32
    %c0_i32_0 = arith.constant 0 : i32
    return %arg0, %c0_i32 : i32, i32
  }
  func.func @transform_3(%arg0: i32) -> (i32, i32) {
    %c0_i32 = arith.constant 0 : i32
    %c0_i32_0 = arith.constant 0 : i32
    %c0_i32_1 = arith.constant 0 : i32
    return %c0_i32, %c0_i32_0 : i32, i32
  }
  func.func @transform_4(%arg0: i32) -> (i32, i32) {
    %c0_i32 = arith.constant 0 : i32
    %c0_i32_0 = arith.constant 0 : i32
    %c0_i32_1 = arith.constant 0 : i32
    return %c0_i32, %c0_i32_0 : i32, i32
  }
  func.func @transform_5(%arg0: i32) -> (i32, i32) {
    %c0_i32 = arith.constant 0 : i32
    %c0_i32_0 = arith.constant 0 : i32
    return %arg0, %c0_i32 : i32, i32
  }
  func.func @transform_6(%arg0: i32) -> (i32, i32) {
    %c0_i32 = arith.constant 0 : i32
    %c0_i32_0 = arith.constant 0 : i32
    return %arg0, %c0_i32 : i32, i32
  }
}

module attributes {stable_mosaic.version = 14 : i64} {
  func.func @body(%arg0: i32, %arg1: memref<2x1000x128xf32, #tpu.memory_space<vmem>>, %arg2: memref<1000x128xf32, #tpu.memory_space<vmem>>, %arg3: memref<1000x128xf32, #tpu.memory_space<vmem>>, %arg4: memref<1000x1xf32, #tpu.memory_space<vmem>>, %arg5: memref<1000x1xi32, #tpu.memory_space<vmem>>, %arg6: memref<256x256xf32, #tpu.memory_space<vmem>>, %arg7: memref<1x256xf32, #tpu.memory_space<vmem>>, %arg8: memref<256x256xf32, #tpu.memory_space<vmem>>, %arg9: memref<1x256xf32, #tpu.memory_space<vmem>>, %arg10: memref<256x10xf32, #tpu.memory_space<vmem>>, %arg11: memref<1x10xf32, #tpu.memory_space<vmem>>, %arg12: memref<128x10xf32, #tpu.memory_space<vmem>>, %arg13: memref<128x256xf32, #tpu.memory_space<vmem>>, %arg14: memref<128x1xf32, #tpu.memory_space<vmem>>) attributes {dimension_semantics = [#tpu.dimension_semantics<arbitrary>], iteration_bounds = array<i64: 10>, scalar_prefetch = 0 : i64, scratch_operands = 2 : i64, tpu.core_type = #tpu.core_type<tc>, window_params = [{transform_indices = @transform_0, window_bounds = array<i64: 2, 1000, 128>}, {transform_indices = @transform_1, window_bounds = array<i64: 1000, 128>}, {transform_indices = @transform_2, window_bounds = array<i64: 1000, 128>}, {transform_indices = @transform_3, window_bounds = array<i64: 1000, 1>}, {transform_indices = @transform_4, window_bounds = array<i64: 1000, 1>}, {pipeline_mode = #tpu.pipeline_mode<synchronous>, transform_indices = @transform_5, window_bounds = array<i64: 256, 256>}, {pipeline_mode = #tpu.pipeline_mode<synchronous>, transform_indices = @transform_6, window_bounds = array<i64: 1, 256>}, {pipeline_mode = #tpu.pipeline_mode<synchronous>, transform_indices = @transform_7, window_bounds = array<i64: 256, 256>}, {pipeline_mode = #tpu.pipeline_mode<synchronous>, transform_indices = @transform_8, window_bounds = array<i64: 1, 256>}, {pipeline_mode = #tpu.pipeline_mode<synchronous>, transform_indices = @transform_9, window_bounds = array<i64: 256, 10>}, {pipeline_mode = #tpu.pipeline_mode<synchronous>, transform_indices = @transform_10, window_bounds = array<i64: 1, 10>}, {pipeline_mode = #tpu.pipeline_mode<synchronous>, transform_indices = @transform_11, window_bounds = array<i64: 128, 10>}]} {
    %get3A = arith.constant 0 : index
    %get3A_0 = arith.constant 0 : index
    %get3A_1 = vector.load %arg4[%get3A, %get3A_0] : memref<1000x1xf32, #tpu.memory_space<vmem>>, vector<1000x1xf32>
    %get3A_2 = arith.constant 0 : index
    %get3A_3 = arith.constant 0 : index
    %get3A_4 = arith.constant 0 : index
    %get3A_5 = vector.load %arg1[%get3A_2, %get3A_3, %get3A_4] : memref<2x1000x128xf32, #tpu.memory_space<vmem>>, vector<1x1000x128xf32>
    %get3A_6 = vector.shape_cast %get3A_5 : vector<1x1000x128xf32> to vector<1000x128xf32>
    %get3A_7 = arith.constant 0 : index
    %get3A_8 = arith.constant 0 : index
    %get3A_9 = vector.load %arg2[%get3A_7, %get3A_8] : memref<1000x128xf32, #tpu.memory_space<vmem>>, vector<1000x128xf32>
    %add3A = arith.addf %get3A_6, %get3A_9 : vector<1000x128xf32>
    %mul3A = vector.broadcast %get3A_1 : vector<1000x1xf32> to vector<1000x128xf32>
    %mul3A_10 = arith.mulf %add3A, %mul3A : vector<1000x128xf32>
    %get3A_11 = arith.constant 1 : index
    %get3A_12 = arith.constant 0 : index
    %get3A_13 = arith.constant 0 : index
    %get3A_14 = vector.load %arg1[%get3A_11, %get3A_12, %get3A_13] : memref<2x1000x128xf32, #tpu.memory_space<vmem>>, vector<1x1000x128xf32>
    %get3A_15 = vector.shape_cast %get3A_14 : vector<1x1000x128xf32> to vector<1000x128xf32>
    %get3A_16 = arith.constant 0 : index
    %get3A_17 = arith.constant 0 : index
    %get3A_18 = vector.load %arg3[%get3A_16, %get3A_17] : memref<1000x128xf32, #tpu.memory_space<vmem>>, vector<1000x128xf32>
    %add3A_19 = arith.addf %get3A_15, %get3A_18 : vector<1000x128xf32>
    %mul3A_20 = vector.broadcast %get3A_1 : vector<1000x1xf32> to vector<1000x128xf32>
    %mul3A_21 = arith.mulf %add3A_19, %mul3A_20 : vector<1000x128xf32>
    %get3A_22 = arith.constant 0 : index
    %get3A_23 = arith.constant 0 : index
    %get3A_24 = vector.load %arg6[%get3A_22, %get3A_23] : memref<256x256xf32, #tpu.memory_space<vmem>>, vector<256x256xf32>
    %slice3A = vector.extract_strided_slice %get3A_24 {offsets = [0, 0], sizes = [128, 256], strides = [1, 1]} : vector<256x256xf32> to vector<128x256xf32>
    %dot_general3A = arith.constant dense<0.000000e+00> : vector<1000x256xf32>
    %dot_general3A_25 = tpu.matmul %mul3A_10, %slice3A, %dot_general3A {dimension_numbers = #tpu.dot_dimension_numbers<[1], [0], [0], [1], [0, 0, 1, 1], [], []>, precision = #tpu.contract_precision<fp32>, transpose_lhs_hint = false} : vector<1000x128xf32>, vector<128x256xf32>, vector<1000x256xf32> -> vector<1000x256xf32>
    %slice3A_26 = vector.extract_strided_slice %get3A_24 {offsets = [128, 0], sizes = [128, 256], strides = [1, 1]} : vector<256x256xf32> to vector<128x256xf32>
    %dot_general3A_27 = arith.constant dense<0.000000e+00> : vector<1000x256xf32>
    %dot_general3A_28 = tpu.matmul %mul3A_21, %slice3A_26, %dot_general3A_27 {dimension_numbers = #tpu.dot_dimension_numbers<[1], [0], [0], [1], [0, 0, 1, 1], [], []>, precision = #tpu.contract_precision<fp32>, transpose_lhs_hint = false} : vector<1000x128xf32>, vector<128x256xf32>, vector<1000x256xf32> -> vector<1000x256xf32>
    %add3A_29 = arith.addf %dot_general3A_25, %dot_general3A_28 : vector<1000x256xf32>
    %get3A_30 = arith.constant 0 : index
    %get3A_31 = arith.constant 0 : index
    %get3A_32 = vector.load %arg7[%get3A_30, %get3A_31] : memref<1x256xf32, #tpu.memory_space<vmem>>, vector<1x256xf32>
    %add3A_33 = vector.broadcast %get3A_32 : vector<1x256xf32> to vector<1000x256xf32>
    %add3A_34 = arith.addf %add3A_29, %add3A_33 : vector<1000x256xf32>
    %max3A = arith.constant 0.000000e+00 : f32
    %max3A_35 = vector.broadcast %max3A : f32 to vector<1000x256xf32>
    %max3A_36 = arith.maximumf %add3A_34, %max3A_35 : vector<1000x256xf32>
    %iota3A = tpu.iota {dimensions = array<i32: 1>} : vector<1000x128xi32>
    %get3A_37 = arith.constant 0 : index
    %get3A_38 = arith.constant 0 : index
    %get3A_39 = vector.load %arg5[%get3A_37, %get3A_38] : memref<1000x1xi32, #tpu.memory_space<vmem>>, vector<1000x1xi32>
    %eq3A = vector.broadcast %get3A_39 : vector<1000x1xi32> to vector<1000x128xi32>
    %eq3A_40 = arith.cmpi eq, %eq3A, %iota3A : vector<1000x128xi32>
    %convert_element_type3A = arith.extui %eq3A_40 : vector<1000x128xi1> to vector<1000x128xi32>
    %convert_element_type3A_41 = arith.sitofp %convert_element_type3A : vector<1000x128xi32> to vector<1000x128xf32>
    %dot_general3A_42 = arith.constant dense<0.000000e+00> : vector<128x256xf32>
    %dot_general3A_43 = tpu.matmul %convert_element_type3A_41, %max3A_36, %dot_general3A_42 {dimension_numbers = #tpu.dot_dimension_numbers<[0], [0], [1], [1], [0, 1, 1, 1], [], []>, precision = #tpu.contract_precision<fp32>, transpose_lhs_hint = false} : vector<1000x128xf32>, vector<1000x256xf32>, vector<128x256xf32> -> vector<128x256xf32>
    %broadcast_in_dim3A = arith.constant 1.000000e+00 : f32
    %broadcast_in_dim3A_44 = vector.broadcast %broadcast_in_dim3A : f32 to vector<1000x1xf32>
    %dot_general3A_45 = arith.constant dense<0.000000e+00> : vector<128x1xf32>
    %dot_general3A_46 = tpu.matmul %convert_element_type3A_41, %broadcast_in_dim3A_44, %dot_general3A_45 {dimension_numbers = #tpu.dot_dimension_numbers<[0], [0], [1], [1], [0, 1, 1, 1], [], []>, precision = #tpu.contract_precision<fp32>, transpose_lhs_hint = false} : vector<1000x128xf32>, vector<1000x1xf32>, vector<128x1xf32> -> vector<128x1xf32>
    %eq3A_47 = arith.constant 0 : i32
    %eq3A_48 = arith.cmpi eq, %arg0, %eq3A_47 : i32
    %convert_element_type3A_49 = arith.extui %eq3A_48 : i1 to i32
    %cond3A = arith.constant 0 : i32
    %cond3A_50 = arith.cmpi ne, %convert_element_type3A_49, %cond3A : i32
    scf.if %cond3A_50 {
      %broadcast_in_dim3A_69 = arith.constant 0.000000e+00 : f32
      %broadcast_in_dim3A_70 = vector.broadcast %broadcast_in_dim3A_69 : f32 to vector<128x256xf32>
      %swap3A_71 = arith.constant 0 : index
      %swap3A_72 = arith.constant 0 : index
      %swap3A_73 = vector.load %arg13[%swap3A_71, %swap3A_72] : memref<128x256xf32, #tpu.memory_space<vmem>>, vector<128x256xf32>
      tpu.vector_store %arg13[%swap3A_71, %swap3A_72], %broadcast_in_dim3A_70 {strides = array<i32>} : memref<128x256xf32, #tpu.memory_space<vmem>>, vector<128x256xf32>,
      %broadcast_in_dim3A_74 = arith.constant 0.000000e+00 : f32
      %broadcast_in_dim3A_75 = vector.broadcast %broadcast_in_dim3A_74 : f32 to vector<128x1xf32>
      %swap3A_76 = arith.constant 0 : index
      %swap3A_77 = arith.constant 0 : index
      %swap3A_78 = vector.load %arg14[%swap3A_76, %swap3A_77] : memref<128x1xf32, #tpu.memory_space<vmem>>, vector<128x1xf32>
      tpu.vector_store %arg14[%swap3A_76, %swap3A_77], %broadcast_in_dim3A_75 {strides = array<i32>} : memref<128x1xf32, #tpu.memory_space<vmem>>, vector<128x1xf32>,
    } else {
    }
    %get3A_51 = arith.constant 0 : index
    %get3A_52 = arith.constant 0 : index
    %get3A_53 = vector.load %arg13[%get3A_51, %get3A_52] : memref<128x256xf32, #tpu.memory_space<vmem>>, vector<128x256xf32>
    %add3A_54 = arith.addf %get3A_53, %dot_general3A_43 : vector<128x256xf32>
    %swap3A = arith.constant 0 : index
    %swap3A_55 = arith.constant 0 : index
    %swap3A_56 = vector.load %arg13[%swap3A, %swap3A_55] : memref<128x256xf32, #tpu.memory_space<vmem>>, vector<128x256xf32>
    tpu.vector_store %arg13[%swap3A, %swap3A_55], %add3A_54 {strides = array<i32>} : memref<128x256xf32, #tpu.memory_space<vmem>>, vector<128x256xf32>,
    %get3A_57 = arith.constant 0 : index
    %get3A_58 = arith.constant 0 : index
    %get3A_59 = vector.load %arg14[%get3A_57, %get3A_58] : memref<128x1xf32, #tpu.memory_space<vmem>>, vector<128x1xf32>
    %add3A_60 = arith.addf %get3A_59, %dot_general3A_46 : vector<128x1xf32>
    %swap3A_61 = arith.constant 0 : index
    %swap3A_62 = arith.constant 0 : index
    %swap3A_63 = vector.load %arg14[%swap3A_61, %swap3A_62] : memref<128x1xf32, #tpu.memory_space<vmem>>, vector<128x1xf32>
    tpu.vector_store %arg14[%swap3A_61, %swap3A_62], %add3A_60 {strides = array<i32>} : memref<128x1xf32, #tpu.memory_space<vmem>>, vector<128x1xf32>,
    %eq3A_64 = arith.constant 9 : i32
    %eq3A_65 = arith.cmpi eq, %arg0, %eq3A_64 : i32
    %convert_element_type3A_66 = arith.extui %eq3A_65 : i1 to i32
    %cond3A_67 = arith.constant 0 : i32
    %cond3A_68 = arith.cmpi ne, %convert_element_type3A_66, %cond3A_67 : i32
    scf.if %cond3A_68 {
      %get3A_69 = arith.constant 0 : index
      %get3A_70 = arith.constant 0 : index
      %get3A_71 = vector.load %arg13[%get3A_69, %get3A_70] : memref<128x256xf32, #tpu.memory_space<vmem>>, vector<128x256xf32>
      %get3A_72 = arith.constant 0 : index
      %get3A_73 = arith.constant 0 : index
      %get3A_74 = vector.load %arg14[%get3A_72, %get3A_73] : memref<128x1xf32, #tpu.memory_space<vmem>>, vector<128x1xf32>
      %max3A_75 = arith.constant 1.000000e+00 : f32
      %max3A_76 = vector.broadcast %max3A_75 : f32 to vector<128x1xf32>
      %max3A_77 = arith.maximumf %get3A_74, %max3A_76 : vector<128x1xf32>
      %div3A = vector.broadcast %max3A_77 : vector<128x1xf32> to vector<128x256xf32>
      %div3A_78 = arith.divf %get3A_71, %div3A : vector<128x256xf32>
      %get3A_79 = arith.constant 0 : index
      %get3A_80 = arith.constant 0 : index
      %get3A_81 = vector.load %arg8[%get3A_79, %get3A_80] : memref<256x256xf32, #tpu.memory_space<vmem>>, vector<256x256xf32>
      %dot_general3A_82 = arith.constant dense<0.000000e+00> : vector<128x256xf32>
      %dot_general3A_83 = tpu.matmul %div3A_78, %get3A_81, %dot_general3A_82 {dimension_numbers = #tpu.dot_dimension_numbers<[1], [0], [0], [1], [0, 0, 1, 1], [], []>, precision = #tpu.contract_precision<fp32>, transpose_lhs_hint = false} : vector<128x256xf32>, vector<256x256xf32>, vector<128x256xf32> -> vector<128x256xf32>
      %get3A_84 = arith.constant 0 : index
      %get3A_85 = arith.constant 0 : index
      %get3A_86 = vector.load %arg9[%get3A_84, %get3A_85] : memref<1x256xf32, #tpu.memory_space<vmem>>, vector<1x256xf32>
      %add3A_87 = vector.broadcast %get3A_86 : vector<1x256xf32> to vector<128x256xf32>
      %add3A_88 = arith.addf %dot_general3A_83, %add3A_87 : vector<128x256xf32>
      %max3A_89 = arith.constant 0.000000e+00 : f32
      %max3A_90 = vector.broadcast %max3A_89 : f32 to vector<128x256xf32>
      %max3A_91 = arith.maximumf %add3A_88, %max3A_90 : vector<128x256xf32>
      %get3A_92 = arith.constant 0 : index
      %get3A_93 = arith.constant 0 : index
      %get3A_94 = vector.load %arg10[%get3A_92, %get3A_93] : memref<256x10xf32, #tpu.memory_space<vmem>>, vector<256x10xf32>
      %dot_general3A_95 = arith.constant dense<0.000000e+00> : vector<128x10xf32>
      %dot_general3A_96 = tpu.matmul %max3A_91, %get3A_94, %dot_general3A_95 {dimension_numbers = #tpu.dot_dimension_numbers<[1], [0], [0], [1], [0, 0, 1, 1], [], []>, precision = #tpu.contract_precision<fp32>, transpose_lhs_hint = false} : vector<128x256xf32>, vector<256x10xf32>, vector<128x10xf32> -> vector<128x10xf32>
      %get3A_97 = arith.constant 0 : index
      %get3A_98 = arith.constant 0 : index
      %get3A_99 = vector.load %arg11[%get3A_97, %get3A_98] : memref<1x10xf32, #tpu.memory_space<vmem>>, vector<1x10xf32>
      %add3A_100 = vector.broadcast %get3A_99 : vector<1x10xf32> to vector<128x10xf32>
      %add3A_101 = arith.addf %dot_general3A_96, %add3A_100 : vector<128x10xf32>
      %swap3A_102 = arith.constant 0 : index
      %swap3A_103 = arith.constant 0 : index
      %swap3A_104 = vector.load %arg12[%swap3A_102, %swap3A_103] : memref<128x10xf32, #tpu.memory_space<vmem>>, vector<128x10xf32>
      tpu.vector_store %arg12[%swap3A_102, %swap3A_103], %add3A_101 {strides = array<i32>} : memref<128x10xf32, #tpu.memory_space<vmem>>, vector<128x10xf32>,
    } else {
    }
    return
  }
  func.func @transform_0(%arg0: i32) -> (i32, i32, i32) {
    %c0_i32 = arith.constant 0 : i32
    %c0_i32_0 = arith.constant 0 : i32
    %c0_i32_1 = arith.constant 0 : i32
    return %c0_i32, %arg0, %c0_i32_0 : i32, i32, i32
  }
  func.func @transform_1(%arg0: i32) -> (i32, i32) {
    %c0_i32 = arith.constant 0 : i32
    %c0_i32_0 = arith.constant 0 : i32
    return %arg0, %c0_i32 : i32, i32
  }
  func.func @transform_2(%arg0: i32) -> (i32, i32) {
    %c0_i32 = arith.constant 0 : i32
    %c0_i32_0 = arith.constant 0 : i32
    return %arg0, %c0_i32 : i32, i32
  }
  func.func @transform_3(%arg0: i32) -> (i32, i32) {
    %c0_i32 = arith.constant 0 : i32
    %c0_i32_0 = arith.constant 0 : i32
    return %arg0, %c0_i32 : i32, i32
  }
  func.func @transform_4(%arg0: i32) -> (i32, i32) {
    %c0_i32 = arith.constant 0 : i32
    %c0_i32_0 = arith.constant 0 : i32
    return %arg0, %c0_i32 : i32, i32
  }
  func.func @transform_5(%arg0: i32) -> (i32, i32) {
    %c0_i32 = arith.constant 0 : i32
    %c0_i32_0 = arith.constant 0 : i32
    %c0_i32_1 = arith.constant 0 : i32
    return %c0_i32, %c0_i32_0 : i32, i32
  }
  func.func @transform_6(%arg0: i32) -> (i32, i32) {
    %c0_i32 = arith.constant 0 : i32
    %c0_i32_0 = arith.constant 0 : i32
    %c0_i32_1 = arith.constant 0 : i32
    return %c0_i32, %c0_i32_0 : i32, i32
  }
  func.func @transform_7(%arg0: i32) -> (i32, i32) {
    %c0_i32 = arith.constant 0 : i32
    %c0_i32_0 = arith.constant 0 : i32
    %c0_i32_1 = arith.constant 0 : i32
    return %c0_i32, %c0_i32_0 : i32, i32
  }
  func.func @transform_8(%arg0: i32) -> (i32, i32) {
    %c0_i32 = arith.constant 0 : i32
    %c0_i32_0 = arith.constant 0 : i32
    %c0_i32_1 = arith.constant 0 : i32
    return %c0_i32, %c0_i32_0 : i32, i32
  }
  func.func @transform_9(%arg0: i32) -> (i32, i32) {
    %c0_i32 = arith.constant 0 : i32
    %c0_i32_0 = arith.constant 0 : i32
    %c0_i32_1 = arith.constant 0 : i32
    return %c0_i32, %c0_i32_0 : i32, i32
  }
  func.func @transform_10(%arg0: i32) -> (i32, i32) {
    %c0_i32 = arith.constant 0 : i32
    %c0_i32_0 = arith.constant 0 : i32
    %c0_i32_1 = arith.constant 0 : i32
    return %c0_i32, %c0_i32_0 : i32, i32
  }
  func.func @transform_11(%arg0: i32) -> (i32, i32) {
    %c0_i32 = arith.constant 0 : i32
    %c0_i32_0 = arith.constant 0 : i32
    %c0_i32_1 = arith.constant 0 : i32
    return %c0_i32, %c0_i32_0 : i32, i32
  }
}

</mosaic_0001>

<sc_bundles>
// kernel: kernel.11.cloned.1.call-start
scs
__scs_entry_jumppad:
0x0: {  	(pc) =	sbr.rel $0x88, $3  }
0x1: {  	(tag) =	ssettag $0x0;
	lr =	simm.s32 $0x1  }
0x2: {  	[smem:$0x3F96] =	sst lr;
	_ =	strace $0xD0000000  }
0x3: {  	_ = 	snop  }
0x4: {  	_ = 	snop  }
0x5: {  	_ = 	snop  }
0x6: {  	_ = 	snop  }
0x7: {  	_ = 	snop  }
__scs_overlays_trampoline_lowered:
0x8: {  	[smem:$0x3FA5] =	sst s0  }
0x9: {  	[smem:$0x3FA6] =	sst s1  }
0xa: {  	[smem:$0x3FA7] =	sst s2  }
0xb: {  	[smem:$0x3FA8] =	sst s3  }
0xc: {  	[smem:$0x3FA9] =	sst s4  }
0xd: {  	[smem:$0x3FAA] =	sst s5  }
0xe: {  	[smem:$0x3FAB] =	sst s6  }
0xf: {  	[smem:$0x3FAC] =	sst s7  }
0x10: {  	[smem:$0x3FAD] =	sst s8  }
0x11: {  	[smem:$0x3FAE] =	sst s9;
	s0 =	simm.s32 @!p0 $0x0  }
0x12: {  	s1 =	sld [smem:$0x3F94];
	s0 =	simm.s32 @p0 $0x1  }
0x13: {  	[smem:$0x3FAF] =	sst s0;
	s0 =	simm.s32 @!p1 $0x0  }
0x14: {  	s2 =	sld [smem:$0x3F93];
	s0 =	simm.s32 @p1 $0x1  }
0x15: {  	[smem:$0x3FB0] =	sst s0;
	s0 =	simm.s32 @!p2 $0x0  }
0x16: {  	s3 =	sld [smem:$0x3FDB];
	s0 =	simm.s32 @p2 $0x1  }
0x17: {  	s4 =	simm.s32 $0x1BF5;
	[smem:$0x3FB2] =	sst s0  }
0x18: {  	s0 =	sld [smem:$0x3F95];
	_ =	swait.ge [sflag:s4], $0x0  }
0x19: {  	s7 =	sld [smem:$0x3F96]  }
0x1a: {  	s8 =	sadd.s32 $0xFFFFE003, lr  }
0x1b: {  	s9 =	sadd.s32 $0xFFFFFEF7, lr;
	s5 =	simm.s32 $0xFFFFFFFF;
	p2 =	slt.u32 s8, $0xFFFFF086  }
0x1c: {  	p1 =	slt.u32 s9, $0xF7A;
	s5 =	simm.s32 @!p2 $0x0  }
0x1d: {  	s5 =	simm.s32 @p1 $0x1;
	p0 =	seq.s32 s7, s2  }
0x1e: {  	s7 =	smul.u32 @!p0 $0xF7A, s2;
	p2 =	seq.s32 @!p0 s5, $0x0  }
0x1f: {  	s9 =	smul.u32 $0xF7A, s1;
	s8 =	simm.s32 @!p0 $0x1BF5;
	p2 =	por !p2, p0  }
0x20: {  	[sflag:s8] =	ssyncset.s32 @!p0 $0xFFFFF086;
	s6 =	sadd.s32 @!p0 s3, s7;
	s7 =	simm.s32 @!p0 $0x108  }
0x21: {  	s3 =	sadd.s32 s3, s9;
	s6 =	sadd.s32 @!p0 $0x88, s6;
	s7 =	simm.s32 @p2 $0x1082  }
0x22: {  	[simem:s7], [sflag:s8] =	dma.local @!p0 [hbm:s6], $0xF7A  }
0x23: {  	s9 =	sor.u32 $0xD0000000, s2;
	s6 =	simm.s32 $0x108;
	_ =	swait.ge @!p0 [sflag:s8], $0x0  }
0x24: {  	s3 =	sadd.s32 $0x88, s3;
	s6 =	simm.s32 @!p1 $0x1082;
	[sflag:s4] =	ssyncset.s32 $0xFFFFF086  }
0x25: {  	[simem:s6], [sflag:s4] =	dma.local [hbm:s3], $0xF7A  }
0x26: {  	[smem:$0x3F96] =	sst s1;
	(tag) =	ssettag s2;
	_ =	strace s9  }
0x27: {  	s1 =	sld [smem:$0x3FA6]  }
0x28: {  	s2 =	sld [smem:$0x3FA7]  }
0x29: {  	s4 =	sld [smem:$0x3FA9]  }
0x2a: {  	p0 =	seq.s32 s5, $0x0;
	s5 =	sld [smem:$0x3FAA]  }
0x2b: {  	s6 =	sld [smem:$0x3FAB]  }
0x2c: {  	s7 =	sld [smem:$0x3FAC]  }
0x2d: {  	s3 =	simm.s32 $0x108;
	s8 =	sld [smem:$0x3FAD]  }
0x2e: {  	s3 =	simm.s32 @!p0 $0x1082;
	s9 =	sld [smem:$0x3FAE]  }
0x2f: {  	lr =	sadd.s32 s0, s3;
	s0 =	sld [smem:$0x3FA5]  }
0x30: {  	s3 =	sld [smem:$0x3FA8]  }
0x31: {  	[smem:$0x3FB1] =	sst s10  }
0x32: {  	s10 =	sld [smem:$0x3FAF];
	_ =	sdelay $0x3  }
0x33: {  	p0 =	seq.s32 s10, $0x1;
	s10 =	sld [smem:$0x3FB1];
	_ =	sdelay $0x3  }
0x34: {  	[smem:$0x3FB1] =	sst s10  }
0x35: {  	s10 =	sld [smem:$0x3FB0];
	_ =	sdelay $0x3  }
0x36: {  	p1 =	seq.s32 s10, $0x1;
	s10 =	sld [smem:$0x3FB1];
	_ =	sdelay $0x3  }
0x37: {  	[smem:$0x3FB1] =	sst s10  }
0x38: {  	s10 =	sld [smem:$0x3FB2]  }
0x39: {  	_ = 	snop;
	(pc) =	sbr.ind lr, $3  }
0x3a: {  	_ = 	snop  }
0x3b: {  	_ = 	snop  }
0x3c: {  	p2 =	seq.s32 s10, $0x1;
	s10 =	sld [smem:$0x3FB1]  }
0x3d: {  	_ =	shalt  }
0x3e: {  	_ =	shalt  }
0x3f: {  	_ =	shalt  }
0x40: {  	_ =	shalt  }
0x41: {  	_ =	shalt  }
0x42: {  	_ =	shalt  }
0x43: {  	_ =	shalt  }
0x44: {  	_ =	shalt  }
0x45: {  	_ =	shalt  }
0x46: {  	_ =	shalt  }
0x47: {  	_ =	shalt  }
0x48: {  	_ =	shalt  }
0x49: {  	_ =	shalt  }
0x4a: {  	_ =	shalt  }
0x4b: {  	_ =	shalt  }
0x4c: {  	_ =	shalt  }
0x4d: {  	_ =	shalt  }
0x4e: {  	_ =	shalt  }
0x4f: {  	_ =	shalt  }
0x50: {  	_ =	shalt  }
0x51: {  	_ =	shalt  }
0x52: {  	_ =	shalt  }
0x53: {  	_ =	shalt  }
0x54: {  	_ =	shalt  }
0x55: {  	_ =	shalt  }
0x56: {  	_ =	shalt  }
0x57: {  	_ =	shalt  }
0x58: {  	_ =	shalt  }
0x59: {  	_ =	shalt  }
0x5a: {  	_ =	shalt  }
0x5b: {  	_ =	shalt  }
0x5c: {  	_ =	shalt  }
0x5d: {  	_ =	shalt  }
0x5e: {  	_ =	shalt  }
0x5f: {  	_ =	shalt  }
0x60: {  	_ =	shalt  }
0x61: {  	_ =	shalt  }
0x62: {  	_ =	shalt  }
0x63: {  	_ =	shalt  }
0x64: {  	_ =	shalt  }
0x65: {  	_ =	shalt  }
0x66: {  	_ =	shalt  }
0x67: {  	_ =	shalt  }
0x68: {  	_ =	shalt  }
0x69: {  	_ =	shalt  }
0x6a: {  	_ =	shalt  }
0x6b: {  	_ =	shalt  }
0x6c: {  	_ =	shalt  }
0x6d: {  	_ =	shalt  }
0x6e: {  	_ =	shalt  }
0x6f: {  	_ =	shalt  }
0x70: {  	_ =	shalt  }
0x71: {  	_ =	shalt  }
0x72: {  	_ =	shalt  }
0x73: {  	_ =	shalt  }
0x74: {  	_ =	shalt  }
0x75: {  	_ =	shalt  }
0x76: {  	_ =	shalt  }
0x77: {  	_ =	shalt  }
0x78: {  	_ =	shalt  }
0x79: {  	_ =	shalt  }
0x7a: {  	_ =	shalt  }
0x7b: {  	_ =	shalt  }
0x7c: {  	_ =	shalt  }
0x7d: {  	_ =	shalt  }
0x7e: {  	_ =	shalt  }
0x7f: {  	_ =	shalt  }
0x80: {  	_ =	shalt  }
0x81: {  	_ =	shalt  }
0x82: {  	_ =	shalt  }
0x83: {  	_ =	shalt  }
0x84: {  	_ =	shalt  }
0x85: {  	_ =	shalt  }
0x86: {  	_ =	shalt  }
0x87: {  	_ =	shalt  }
.Lfunc_end0:
.L_simem_size_0:
called_computation.1_lowered:
.L_overlay_start_0:
0x88: {  	s2 =	sld [smem:$0x3FD9]  }
0x89: {  	s3 =	sld [smem:$0x3FFE];
	_ =	sdelay $0x1  }
0x8a: {  	s1 =	srdreg.scid  }
0x8b: {  	s0 =	sand.u32 $0x1, s1  }
0x8c: {  	s16 =	sshll.u32 s0, $0xA;
	s2 =	sadd.s32 s3, s2  }
0x8d: {  	s2 =	sadd.s32 s2, s16  }
0x8e: {  	[smem:$0x3FBD] =	sst s2  }
0x8f: {  	_ = 	snop  }
0x90: {  	(tm) =	ssettm $0x1  }
0x91: {  	s17 =	sld [smem:$0x3FFB];
	_ =	sdelay $0x3  }
0x92: {  	_ =	strace s17  }
0x93: {  	s2 =	sld [smem:$0x3FFC];
	_ =	sdelay $0x3  }
0x94: {  	_ =	strace s2  }
0x95: {  	s2 =	sld [smem:$0x3FFD];
	_ =	sdelay $0x3  }
0x96: {  	_ =	strace s2  }
0x97: {  	_ =	strace $0x8FFFFFFF  }
0x98: {  	s18 =	sld [smem:$0x3FDB];
	_ =	sdelay $0x1  }
0x99: {  	s19 =	simm.s32 $_scs_section_size  }
0x9a: {  	s4 =	simm.s32 $_size__tile_overlayer_lowered;
	s5 =	simm.s32 $_tile_overlayer_lowered  }
0x9b: {  	s22 =	simm.s32 $0x1BFF;
	s21 =	sshll.u32 s5, $0x1;
	s2 =	sadd.s32 s19, s18  }
0x9c: {  	s6 =	simm.s32 $0x0;
	s20 =	sshll.u32 s4, $0x1;
	s4 =	sadd.s32 s21, s2  }
0x9d: {  	[timem:s6], [sflag:s22] =	dma.local [hbm:s4], s20  }
0x9e: {  	_ =	swait.ge [sflag:s22], s20  }
0x9f: {  	s3 =	ssub.s32 $0x0, s20;
	[sflag:s22] =	ssyncset.done $0x0  }
0xa0: {  	[sflag:s22] =	ssyncadd.s32 s3;
	_ =	sdelay $0x1  }
0xa1: {  	s23 =	simm.s32 $0x1B8B  }
0xa2: {  	_ =	swait.ge [sflag:s23], $0x1  }
0xa3: {  	[sflag:s23] =	ssyncset.done $0x0  }
0xa4: {  	s25 =	simm.s32 $0x1B8E;
	s24 =	sld [smem:$0x3FFE];
	[sflag:s23] =	ssyncadd.s32 $0xFFFFFFFF  }
0xa5: {  	s26 =	simm.s32 $execute0_lowered;
	[smem:$0x3FD2] =	sst s25  }
0xa6: {  	s4 =	sshll.u32 s26, $0x1;
	_ =	strace $0x80000049;
	[dreg:$0x1] =	wrdreg $0xFFFFFFFF  }
0xa7: {  	s28 =	simm.s32 $_size_execute0_lowered;
	s2 =	sadd.s32 s2, s4;
	[dreg:$0x0] =	wrdreg $0x0  }
0xa8: {  	s4 =	sshll.u32 s28, $0x1;
	[dreg:$0x2] =	wrdreg s2  }
0xa9: {  	[dreg:$0x3] =	wrdreg s4  }
0xaa: {  	[dreg:$0x4] =	wrdreg $0xC0  }
0xab: {  	_ =	task [dreg:s6], $0x5FFFF  }
0xac: {  	[dreg:$0x1] =	wrdreg $0xFFFFFFFF  }
0xad: {  	[dreg:$0x0] =	wrdreg $0x60  }
0xae: {  	[dreg:$0x2] =	wrdreg s24  }
0xaf: {  	[dreg:$0x3] =	wrdreg $0x82000  }
0xb0: {  	[dreg:$0x4] =	wrdreg $0x9  }
0xb1: {  	_ =	task.clear_ibuf [dreg:s6], $0x5FFFF;
	_ =	strace $0x90000049  }
0xb2: {  	s29 =	simm.s32 $0x9;
	_ =	strace $0x8000004B  }
0xb3: {  	_ =	swait.ge [sflag:s29], $0x1  }
0xb4: {  	[sflag:s29] =	ssyncadd.s32 $0xFFFFFFFF  }
0xb5: {  	_ =	strace $0x9000004B  }
0xb6: {  	_ =	sfence  }
0xb7: {  	s30 =	sld [smem:$0x0];
	_ =	sdelay $0x2  }
0xb8: {  	s31 =	sshll.u32 s1, $0xD;
	s1 =	sshrl.u32 s1, $0x2  }
0xb9: {  	s3 =	sand.u32 $0x4000, s31;
	s1 =	sadd.s32 s1, s30  }
0xba: {  	s0 =	sor.u32 s3, s0;
	s1 =	sshll.u32 s1, $0x11  }
0xbb: {  	s0 =	sor.u32 s1, s0  }
0xbc: {  	s0 =	sadd.s32 $0x8F2B, s0  }
0xbd: {  	[sflag:s0] =	ssyncadd.remote.s32 $0x1  }
0xbe: {  	_ =	sfence.sel $0xFFFF  }
0xbf: {  	[dreg:$0x0] =	wrdreg $0xFFFFFFFF;
	(pc) =	sbr.abs _section_cstart, $3  }
0xc0: {  	[dreg:$0x1] =	wrdreg $0xFFFFFFFF  }
0xc1: {  	_ =	task.clear_ibuf [dreg:s6], $0x2FFFF;
	_ =	strace $0x9FFFFFFF  }
0xc2: {  	(tm) =	ssettm $0x7FFFFFFF  }
0xc3: {  	_ =	shalt  }
tec
execute0_lowered:
.L_overlay_start_1:
0x0: {  	(tag) =	ssettag $0x1  }
0x1: {  	s0 =	rddreg [dreg:$0x0]  }
0x2: {  	s1 =	rddreg [dreg:$0x1];
	s2 =	simm.s32 $0x0  }
0x3: {  	s4 =	srdreg.scid;
	s21 =	stileid.u32;
	s19 =	simm.s32 $0x100  }
0x4: {  	s20 =	simm.s32 $0x180;
	s28 =	simm.s32 $0x4200;
	s29 =	simm.s32 $0x5  }
0x5: {  	s30 =	simm.s32 $0x6;
	s31 =	simm.s32 $0x0;
	[smem:$0x7FF] =	sst s2  }
0x6: {  	s3 =	sadd.s32 $0x19600, s0;
	s14 =	sadd.s32 $0x2E00, s0;
	s15 =	sadd.s32 $0xCE00, s0  }
0x7: {  	s5 =	sadd.s32 $0x16E00, s0;
	s6 =	sand.u32 $0x1, s4;
	s10 =	smul.u32 $0x50000, s21  }
0x8: {  	s25 =	sshll.u32 s21, $0x6;
	s12 =	smul.u32 $0x50, s21;
	_ =	strace $0x8000004A  }
0x9: {  	[dreg:$0x3] =	wrdreg s5;
	s7 =	smul.u32 $0x28000, s6;
	s8 =	sshll.u32 s6, $0x4  }
0xa: {  	s9 =	ssub.s32 $0x2, s6;
	s24 =	smul.u32 $0x500, s6;
	s6 =	sor.u32 $0x1C07, s25  }
0xb: {  	s25 =	simm.s32 $0x3;
	s8 =	sor.u32 s21, s8;
	s22 =	sshrl.u32 s9, $0x1  }
0xc: {  	s23 =	sshrl.u32 s10, $0x2;
	s0 =	sadd.s32 s7, s0;
	s8 =	smul.u32 $0x500, s8  }
0xd: {  	s11 =	ssub.s32 s9, s22;
	s16 =	sadd.s32 s23, s1;
	s12 =	sadd.s32 s12, s24  }
0xe: {  	s24 =	smul.u32 $0x2800, s21;
	s21 =	simm.s32 $0x1;
	s22 =	simm.s32 $0x2  }
0xf: {  	s23 =	simm.s32 $0x200;
	s0 =	sadd.s32 $0x40800, s0;
	s26 =	sshll.u32 s12, $0x4  }
0x10: {  	s11 =	smax.u32 s11, $0x1;
	s16 =	sshrl.u32 s16, $0x3;
	s7 =	sadd.s32 s14, s8  }
0x11: {  	s13 =	sor.u32 $0x10, s8;
	s8 =	sadd.s32 s15, s8;
	s12 =	sadd.s32 s26, s14  }
0x12: {  	s17 =	sadd.s32 s26, s15;
	s18 =	sor.u32 $0x20, s26;
	s24 =	sadd.s32 s24, s0  }
0x13: {  	s26 =	simm.s32 $0x4;
	s9 =	sadd.s32 s14, s13;
	s10 =	sadd.s32 s15, s13  }
0x14: {  	s12 =	sadd.s32 $0x30, s12;
	s13 =	sadd.s32 $0x30, s17;
	s14 =	sadd.s32 s18, s14  }
0x15: {  	s15 =	sadd.s32 s18, s15;
	s17 =	simm.s32 $0x7;
	s18 =	simm.s32 $0x80  }
.LBB2_1:
0x16: {  	s0 =	rddreg [dreg:$0x3]  }
0x17: {  	[spmem:s16], [sflag:s6] =	dma.local [hbm:s0], $0x2800  }
0x18: {  	_ =	swait.ge [sflag:s17], $0x2800  }
0x19: {  	[sflag:s17] =	ssyncset.done $0x0  }
0x1a: {  	[sflag:s17] =	ssyncadd.s32 $0xFFFFD800  }
0x1b: {  	[bflag:$0x0] =	sbarrier.arrive $0xFFFF  }
0x1c: {  	[tilespmem:s2], [sflag:$0x1] =	stream.linear.gather [hbm4b:s7+s2], $0x80, $0x38;
	[tilespmem:$0x1C200] =	vst v63  }
0x1d: {  	_ = 	snop  }
0x1e: {  	[tilespmem:s18], [sflag:$0x2] =	stream.linear.gather [hbm4b:s8+s2], $0x80, $0x38;
	[tilespmem:$0x1C200] =	vst v63  }
0x1f: {  	_ = 	snop  }
0x20: {  	[tilespmem:s19], [sflag:$0x3] =	stream.linear.gather [hbm4b:s9+s2], $0x80, $0x38;
	[tilespmem:$0x1C200] =	vst v63  }
0x21: {  	_ = 	snop  }
0x22: {  	[tilespmem:s20], [sflag:$0x4] =	stream.linear.gather [hbm4b:s10+s2], $0x80, $0x38;
	[tilespmem:$0x1C200] =	vst v63  }
0x23: {  	_ =	swait.ge [sflag:s21], $0x80  }
0x24: {  	[sflag:s21] =	ssyncset.done $0x0  }
0x25: {  	[sflag:s21] =	ssyncadd.s32 $0xFFFFFF80  }
0x26: {  	_ =	swait.ge [sflag:s22], $0x80  }
0x27: {  	[sflag:s22] =	ssyncset.done $0x0  }
0x28: {  	[sflag:s22] =	ssyncadd.s32 $0xFFFFFF80  }
0x29: {  	[tilespmem:s23], [sflag:$0x5] =	stream.indirect.gather [hbm4b:s3+s18], $0x80, s2, s18, $0xb8;
	[tilespmem:$0x1C200] =	vst v63  }
0x2a: {  	_ =	swait.ge [sflag:s25], $0x80  }
0x2b: {  	[sflag:s25] =	ssyncset.done $0x0  }
0x2c: {  	[sflag:s25] =	ssyncadd.s32 $0xFFFFFF80  }
0x2d: {  	_ =	swait.ge [sflag:s26], $0x80  }
0x2e: {  	[sflag:s26] =	ssyncset.done $0x0  }
0x2f: {  	[sflag:s26] =	ssyncadd.s32 $0xFFFFFF80  }
0x30: {  	[tilespmem:s28], [sflag:$0x6] =	stream.indirect.gather [hbm4b:s3+s18], $0x80, s19, s18, $0xb8;
	[tilespmem:$0x1C200] =	vst v63  }
0x31: {  	_ =	swait.ge [sflag:s29], $0x4000  }
0x32: {  	[sflag:s29] =	ssyncset.done $0x0  }
0x33: {  	[sflag:s29] =	ssyncadd.s32 $0xFFFFC000  }
0x34: {  	[spmem:s1] =	stream.indirect.scatter.add.f32 [tilespmem:s23], [sflag:$0x7], $0x80, s18, s18, $0xb8;
	[tilespmem:$0x1C200] =	vst v63  }
0x35: {  	_ =	swait.ge [sflag:s17], $0x4000  }
0x36: {  	[sflag:s17] =	ssyncset.done $0x0  }
0x37: {  	s4 =	sadd.s32 $0x0, s14;
	[sflag:s17] =	ssyncadd.s32 $0xFFFFC000  }
0x38: {  	[tilespmem:s2], [sflag:$0x1] =	stream.linear.gather [hbm4b:s4+s2], $0x80, $0x38;
	[tilespmem:$0x1C200] =	vst v63  }
0x39: {  	s5 =	sadd.s32 $0x0, s15  }
0x3a: {  	[tilespmem:s18], [sflag:$0x2] =	stream.linear.gather [hbm4b:s5+s2], $0x80, $0x38;
	[tilespmem:$0x1C200] =	vst v63  }
0x3b: {  	_ =	swait.ge [sflag:s30], $0x4000  }
0x3c: {  	[sflag:s30] =	ssyncset.done $0x0  }
0x3d: {  	[sflag:s30] =	ssyncadd.s32 $0xFFFFC000  }
0x3e: {  	[spmem:s1] =	stream.indirect.scatter.add.f32 [tilespmem:s28], [sflag:$0x7], $0x80, s20, s18, $0xb8;
	[tilespmem:$0x1C200] =	vst v63  }
0x3f: {  	_ =	swait.ge [sflag:s17], $0x4000  }
0x40: {  	[sflag:s17] =	ssyncset.done $0x0  }
0x41: {  	s4 =	sadd.s32 $0x0, s12;
	[sflag:s17] =	ssyncadd.s32 $0xFFFFC000  }
0x42: {  	[tilespmem:s19], [sflag:$0x3] =	stream.linear.gather [hbm4b:s4+s2], $0x80, $0x38;
	[tilespmem:$0x1C200] =	vst v63  }
0x43: {  	s5 =	sadd.s32 $0x0, s13  }
0x44: {  	[tilespmem:s20], [sflag:$0x4] =	stream.linear.gather [hbm4b:s5+s2], $0x80, $0x38;
	[tilespmem:$0x1C200] =	vst v63  }
0x45: {  	_ =	swait.ge [sflag:s21], $0x80  }
0x46: {  	[sflag:s21] =	ssyncset.done $0x0  }
0x47: {  	[sflag:s21] =	ssyncadd.s32 $0xFFFFFF80  }
0x48: {  	_ =	swait.ge [sflag:s22], $0x80  }
0x49: {  	[sflag:s22] =	ssyncset.done $0x0  }
0x4a: {  	s0 =	simm.s32 $0x20;
	[sflag:s22] =	ssyncadd.s32 $0xFFFFFF80  }
.LBB2_2:
0x4b: {  	[tilespmem:s23], [sflag:$0x5] =	stream.indirect.gather [hbm4b:s3+s18], $0x80, s2, s18, $0xb8;
	[tilespmem:$0x1C200] =	vst v63  }
0x4c: {  	s4 =	smov.u32 s0  }
0x4d: {  	p0 =	sne.s32 s0, $0x4C0;
	s0 =	sadd.s32 $0x20, s0;
	_ =	swait.ge [sflag:s25], $0x80  }
0x4e: {  	[sflag:s25] =	ssyncset.done $0x0  }
0x4f: {  	[sflag:s25] =	ssyncadd.s32 $0xFFFFFF80  }
0x50: {  	_ =	swait.ge [sflag:s26], $0x80  }
0x51: {  	[sflag:s26] =	ssyncset.done $0x0  }
0x52: {  	[sflag:s26] =	ssyncadd.s32 $0xFFFFFF80  }
0x53: {  	[tilespmem:s28], [sflag:$0x6] =	stream.indirect.gather [hbm4b:s3+s18], $0x80, s19, s18, $0xb8;
	[tilespmem:$0x1C200] =	vst v63  }
0x54: {  	_ =	swait.ge [sflag:s29], $0x4000  }
0x55: {  	[sflag:s29] =	ssyncset.done $0x0  }
0x56: {  	[sflag:s29] =	ssyncadd.s32 $0xFFFFC000  }
0x57: {  	[spmem:s1] =	stream.indirect.scatter.add.f32 [tilespmem:s23], [sflag:$0x7], $0x80, s18, s18, $0xb8;
	[tilespmem:$0x1C200] =	vst v63  }
0x58: {  	_ =	swait.ge [sflag:s17], $0x4000  }
0x59: {  	[sflag:s17] =	ssyncset.done $0x0  }
0x5a: {  	s5 =	sadd.s32 s4, s14;
	[sflag:s17] =	ssyncadd.s32 $0xFFFFC000  }
0x5b: {  	[tilespmem:s2], [sflag:$0x1] =	stream.linear.gather [hbm4b:s5+s2], $0x80, $0x38;
	[tilespmem:$0x1C200] =	vst v63  }
0x5c: {  	s5 =	sadd.s32 s4, s15  }
0x5d: {  	[tilespmem:s18], [sflag:$0x2] =	stream.linear.gather [hbm4b:s5+s2], $0x80, $0x38;
	[tilespmem:$0x1C200] =	vst v63  }
0x5e: {  	_ =	swait.ge [sflag:s30], $0x4000  }
0x5f: {  	[sflag:s30] =	ssyncset.done $0x0  }
0x60: {  	[sflag:s30] =	ssyncadd.s32 $0xFFFFC000  }
0x61: {  	[spmem:s1] =	stream.indirect.scatter.add.f32 [tilespmem:s28], [sflag:$0x7], $0x80, s20, s18, $0xb8;
	[tilespmem:$0x1C200] =	vst v63  }
0x62: {  	_ =	swait.ge [sflag:s17], $0x4000  }
0x63: {  	[sflag:s17] =	ssyncset.done $0x0  }
0x64: {  	s5 =	sadd.s32 s4, s12;
	[sflag:s17] =	ssyncadd.s32 $0xFFFFC000  }
0x65: {  	[tilespmem:s19], [sflag:$0x3] =	stream.linear.gather [hbm4b:s5+s2], $0x80, $0x38;
	[tilespmem:$0x1C200] =	vst v63  }
0x66: {  	s4 =	sadd.s32 s4, s13  }
0x67: {  	[tilespmem:s20], [sflag:$0x4] =	stream.linear.gather [hbm4b:s4+s2], $0x80, $0x38;
	[tilespmem:$0x1C200] =	vst v63  }
0x68: {  	_ =	swait.ge [sflag:s21], $0x80  }
.Ltmp0:
0x69: {  	[sflag:s21] =	ssyncset.done $0x0;
	(pc) =	sbr.rel @p0 .LBB2_2-.Ltmp0, $4  }
0x6a: {  	[sflag:s21] =	ssyncadd.s32 $0xFFFFFF80  }
0x6b: {  	_ =	swait.ge [sflag:s22], $0x80  }
0x6c: {  	[sflag:s22] =	ssyncset.done $0x0  }
0x6d: {  	[sflag:s22] =	ssyncadd.s32 $0xFFFFFF80  }
0x6e: {  	[tilespmem:s23], [sflag:$0x5] =	stream.indirect.gather [hbm4b:s3+s18], $0x80, s2, s18, $0xb8;
	[tilespmem:$0x1C200] =	vst v63  }
0x6f: {  	_ =	swait.ge [sflag:s25], $0x80  }
0x70: {  	[sflag:s25] =	ssyncset.done $0x0  }
0x71: {  	[sflag:s25] =	ssyncadd.s32 $0xFFFFFF80  }
0x72: {  	_ =	swait.ge [sflag:s26], $0x80  }
0x73: {  	[sflag:s26] =	ssyncset.done $0x0  }
0x74: {  	[sflag:s26] =	ssyncadd.s32 $0xFFFFFF80  }
0x75: {  	[tilespmem:s28], [sflag:$0x6] =	stream.indirect.gather [hbm4b:s3+s18], $0x80, s19, s18, $0xb8;
	[tilespmem:$0x1C200] =	vst v63  }
0x76: {  	_ =	swait.ge [sflag:s29], $0x4000  }
0x77: {  	[sflag:s29] =	ssyncset.done $0x0  }
0x78: {  	[sflag:s29] =	ssyncadd.s32 $0xFFFFC000  }
0x79: {  	[spmem:s1] =	stream.indirect.scatter.add.f32 [tilespmem:s23], [sflag:$0x7], $0x80, s18, s18, $0xb8;
	[tilespmem:$0x1C200] =	vst v63  }
0x7a: {  	_ =	swait.ge [sflag:s17], $0x4000  }
0x7b: {  	[sflag:s17] =	ssyncset.done $0x0  }
0x7c: {  	[sflag:s17] =	ssyncadd.s32 $0xFFFFC000  }
0x7d: {  	_ =	swait.ge [sflag:s30], $0x4000  }
0x7e: {  	[sflag:s30] =	ssyncset.done $0x0  }
0x7f: {  	[sflag:s30] =	ssyncadd.s32 $0xFFFFC000  }
0x80: {  	[spmem:s1] =	stream.indirect.scatter.add.f32 [tilespmem:s28], [sflag:$0x7], $0x80, s20, s18, $0xb8;
	[tilespmem:$0x1C200] =	vst v63  }
0x81: {  	_ =	swait.ge [sflag:s17], $0x4000  }
0x82: {  	s31 =	sadd.s32 $0x1, s31;
	[sflag:s17] =	ssyncset.done $0x0  }
0x83: {  	p0 =	sne.s32 s31, s11;
	[sflag:s17] =	ssyncadd.s32 $0xFFFFC000  }
.Ltmp1:
0x84: {  	[bflag:$0x0] =	sbarrier.arrive $0xFFFF;
	(pc) =	sbr.rel @p0 .LBB2_1-.Ltmp1, $4  }
0x85: {  	[hbm:s24], [sflag:s6] =	dma.local [spmem:s16], $0x2800  }
0x86: {  	_ =	swait.ge [sflag:s17], $0x2800  }
0x87: {  	[sflag:s17] =	ssyncset.done $0x0  }
0x88: {  	[sflag:s17] =	ssyncadd.s32 $0xFFFFD800  }
0x89: {  	_ =	sfence.sel $0x180000  }
0x8a: {  	[bflag:$0x0] =	sbarrier.arrive $0xFFFF  }
0x8b: {  	_ =	strace $0x9000004A  }
0x8c: {  	s0 =	stileid.u32;
	[bflag:$0x2] =	sbarrier.arrive $0xFFFF  }
0x8d: {  	p0 =	sne.s32 s0, $0x0;
	s0 =	rddreg [dreg:$0x2]  }
0x8e: {  	s0 =	sadd.s32 @!p0 $0x100000, s0  }
0x8f: {  	[sflag:s0] =	ssyncadd.tile.s32 @!p0 $0x1;
	_ =	shalt  }
.Lfunc_end2:
_tile_overlayer_lowered:
.L_overlay_start_2:
0x90: {  	(tag) =	ssettag $0x2  }
0x91: {  	s0 =	rddreg [dreg:$0x0];
	s2 =	stileid.u32  }
0x92: {  	s1 =	rddreg [dreg:$0x1];
	p0 =	sne.s32 s2, $0x0  }
0x93: {  	s3 =	rddreg [dreg:$0x2];
	[bflag:$0x3] =	sbarrier.arrive $0xFFFF;
	s2 =	simm.s32 @!p0 $0x1C07  }
0x94: {  	[timem:s3], [sflag:s2] =	dma.local @!p0 [hbm:s0], s1  }
0x95: {  	s0 =	simm.s32 @!p0 $0x7  }
0x96: {  	_ =	swait.ge @!p0 [sflag:s0], s1  }
0x97: {  	s1 =	ssub.s32 @!p0 $0x0, s1;
	[sflag:s0] =	ssyncset.done @!p0 $0x0  }
0x98: {  	[sflag:s0] =	ssyncadd.s32 @!p0 s1  }
0x99: {  	[bflag:$0x3] =	sbarrier.arrive $0xFFFF  }
0x9a: {  	_ =	shalt  }

// kernel: kernel.14.cloned.1.call-start
scs
__scs_entry_jumppad:
0x0: {  	(pc) =	sbr.rel $0x88, $3  }
0x1: {  	(tag) =	ssettag $0x0;
	lr =	simm.s32 $0x1  }
0x2: {  	[smem:$0x3F96] =	sst lr;
	_ =	strace $0xD0000000  }
0x3: {  	_ = 	snop  }
0x4: {  	_ = 	snop  }
0x5: {  	_ = 	snop  }
0x6: {  	_ = 	snop  }
0x7: {  	_ = 	snop  }
__scs_overlays_trampoline_lowered:
0x8: {  	[smem:$0x3FA5] =	sst s0  }
0x9: {  	[smem:$0x3FA6] =	sst s1  }
0xa: {  	[smem:$0x3FA7] =	sst s2  }
0xb: {  	[smem:$0x3FA8] =	sst s3  }
0xc: {  	[smem:$0x3FA9] =	sst s4  }
0xd: {  	[smem:$0x3FAA] =	sst s5  }
0xe: {  	[smem:$0x3FAB] =	sst s6  }
0xf: {  	[smem:$0x3FAC] =	sst s7  }
0x10: {  	[smem:$0x3FAD] =	sst s8  }
0x11: {  	[smem:$0x3FAE] =	sst s9;
	s0 =	simm.s32 @!p0 $0x0  }
0x12: {  	s1 =	sld [smem:$0x3F94];
	s0 =	simm.s32 @p0 $0x1  }
0x13: {  	[smem:$0x3FAF] =	sst s0;
	s0 =	simm.s32 @!p1 $0x0  }
0x14: {  	s2 =	sld [smem:$0x3F93];
	s0 =	simm.s32 @p1 $0x1  }
0x15: {  	[smem:$0x3FB0] =	sst s0;
	s0 =	simm.s32 @!p2 $0x0  }
0x16: {  	s3 =	sld [smem:$0x3FDB];
	s0 =	simm.s32 @p2 $0x1  }
0x17: {  	s4 =	simm.s32 $0x1BF5;
	[smem:$0x3FB2] =	sst s0  }
0x18: {  	s0 =	sld [smem:$0x3F95];
	_ =	swait.ge [sflag:s4], $0x0  }
0x19: {  	s7 =	sld [smem:$0x3F96]  }
0x1a: {  	s8 =	sadd.s32 $0xFFFFE003, lr  }
0x1b: {  	s9 =	sadd.s32 $0xFFFFFEF7, lr;
	s5 =	simm.s32 $0xFFFFFFFF;
	p2 =	slt.u32 s8, $0xFFFFF086  }
0x1c: {  	p1 =	slt.u32 s9, $0xF7A;
	s5 =	simm.s32 @!p2 $0x0  }
0x1d: {  	s5 =	simm.s32 @p1 $0x1;
	p0 =	seq.s32 s7, s2  }
0x1e: {  	s7 =	smul.u32 @!p0 $0xF7A, s2;
	p2 =	seq.s32 @!p0 s5, $0x0  }
0x1f: {  	s9 =	smul.u32 $0xF7A, s1;
	s8 =	simm.s32 @!p0 $0x1BF5;
	p2 =	por !p2, p0  }
0x20: {  	[sflag:s8] =	ssyncset.s32 @!p0 $0xFFFFF086;
	s6 =	sadd.s32 @!p0 s3, s7;
	s7 =	simm.s32 @!p0 $0x108  }
0x21: {  	s3 =	sadd.s32 s3, s9;
	s6 =	sadd.s32 @!p0 $0x88, s6;
	s7 =	simm.s32 @p2 $0x1082  }
0x22: {  	[simem:s7], [sflag:s8] =	dma.local @!p0 [hbm:s6], $0xF7A  }
0x23: {  	s9 =	sor.u32 $0xD0000000, s2;
	s6 =	simm.s32 $0x108;
	_ =	swait.ge @!p0 [sflag:s8], $0x0  }
0x24: {  	s3 =	sadd.s32 $0x88, s3;
	s6 =	simm.s32 @!p1 $0x1082;
	[sflag:s4] =	ssyncset.s32 $0xFFFFF086  }
0x25: {  	[simem:s6], [sflag:s4] =	dma.local [hbm:s3], $0xF7A  }
0x26: {  	[smem:$0x3F96] =	sst s1;
	(tag) =	ssettag s2;
	_ =	strace s9  }
0x27: {  	s1 =	sld [smem:$0x3FA6]  }
0x28: {  	s2 =	sld [smem:$0x3FA7]  }
0x29: {  	s4 =	sld [smem:$0x3FA9]  }
0x2a: {  	p0 =	seq.s32 s5, $0x0;
	s5 =	sld [smem:$0x3FAA]  }
0x2b: {  	s6 =	sld [smem:$0x3FAB]  }
0x2c: {  	s7 =	sld [smem:$0x3FAC]  }
0x2d: {  	s3 =	simm.s32 $0x108;
	s8 =	sld [smem:$0x3FAD]  }
0x2e: {  	s3 =	simm.s32 @!p0 $0x1082;
	s9 =	sld [smem:$0x3FAE]  }
0x2f: {  	lr =	sadd.s32 s0, s3;
	s0 =	sld [smem:$0x3FA5]  }
0x30: {  	s3 =	sld [smem:$0x3FA8]  }
0x31: {  	[smem:$0x3FB1] =	sst s10  }
0x32: {  	s10 =	sld [smem:$0x3FAF];
	_ =	sdelay $0x3  }
0x33: {  	p0 =	seq.s32 s10, $0x1;
	s10 =	sld [smem:$0x3FB1];
	_ =	sdelay $0x3  }
0x34: {  	[smem:$0x3FB1] =	sst s10  }
0x35: {  	s10 =	sld [smem:$0x3FB0];
	_ =	sdelay $0x3  }
0x36: {  	p1 =	seq.s32 s10, $0x1;
	s10 =	sld [smem:$0x3FB1];
	_ =	sdelay $0x3  }
0x37: {  	[smem:$0x3FB1] =	sst s10  }
0x38: {  	s10 =	sld [smem:$0x3FB2]  }
0x39: {  	_ = 	snop;
	(pc) =	sbr.ind lr, $3  }
0x3a: {  	_ = 	snop  }
0x3b: {  	_ = 	snop  }
0x3c: {  	p2 =	seq.s32 s10, $0x1;
	s10 =	sld [smem:$0x3FB1]  }
0x3d: {  	_ =	shalt  }
0x3e: {  	_ =	shalt  }
0x3f: {  	_ =	shalt  }
0x40: {  	_ =	shalt  }
0x41: {  	_ =	shalt  }
0x42: {  	_ =	shalt  }
0x43: {  	_ =	shalt  }
0x44: {  	_ =	shalt  }
0x45: {  	_ =	shalt  }
0x46: {  	_ =	shalt  }
0x47: {  	_ =	shalt  }
0x48: {  	_ =	shalt  }
0x49: {  	_ =	shalt  }
0x4a: {  	_ =	shalt  }
0x4b: {  	_ =	shalt  }
0x4c: {  	_ =	shalt  }
0x4d: {  	_ =	shalt  }
0x4e: {  	_ =	shalt  }
0x4f: {  	_ =	shalt  }
0x50: {  	_ =	shalt  }
0x51: {  	_ =	shalt  }
0x52: {  	_ =	shalt  }
0x53: {  	_ =	shalt  }
0x54: {  	_ =	shalt  }
0x55: {  	_ =	shalt  }
0x56: {  	_ =	shalt  }
0x57: {  	_ =	shalt  }
0x58: {  	_ =	shalt  }
0x59: {  	_ =	shalt  }
0x5a: {  	_ =	shalt  }
0x5b: {  	_ =	shalt  }
0x5c: {  	_ =	shalt  }
0x5d: {  	_ =	shalt  }
0x5e: {  	_ =	shalt  }
0x5f: {  	_ =	shalt  }
0x60: {  	_ =	shalt  }
0x61: {  	_ =	shalt  }
0x62: {  	_ =	shalt  }
0x63: {  	_ =	shalt  }
0x64: {  	_ =	shalt  }
0x65: {  	_ =	shalt  }
0x66: {  	_ =	shalt  }
0x67: {  	_ =	shalt  }
0x68: {  	_ =	shalt  }
0x69: {  	_ =	shalt  }
0x6a: {  	_ =	shalt  }
0x6b: {  	_ =	shalt  }
0x6c: {  	_ =	shalt  }
0x6d: {  	_ =	shalt  }
0x6e: {  	_ =	shalt  }
0x6f: {  	_ =	shalt  }
0x70: {  	_ =	shalt  }
0x71: {  	_ =	shalt  }
0x72: {  	_ =	shalt  }
0x73: {  	_ =	shalt  }
0x74: {  	_ =	shalt  }
0x75: {  	_ =	shalt  }
0x76: {  	_ =	shalt  }
0x77: {  	_ =	shalt  }
0x78: {  	_ =	shalt  }
0x79: {  	_ =	shalt  }
0x7a: {  	_ =	shalt  }
0x7b: {  	_ =	shalt  }
0x7c: {  	_ =	shalt  }
0x7d: {  	_ =	shalt  }
0x7e: {  	_ =	shalt  }
0x7f: {  	_ =	shalt  }
0x80: {  	_ =	shalt  }
0x81: {  	_ =	shalt  }
0x82: {  	_ =	shalt  }
0x83: {  	_ =	shalt  }
0x84: {  	_ =	shalt  }
0x85: {  	_ =	shalt  }
0x86: {  	_ =	shalt  }
0x87: {  	_ =	shalt  }
.Lfunc_end0:
.L_simem_size_0:
called_computation.2_lowered:
.L_overlay_start_0:
0x88: {  	s2 =	sld [smem:$0x3FD9]  }
0x89: {  	s3 =	sld [smem:$0x3FFE];
	_ =	sdelay $0x1  }
0x8a: {  	s1 =	srdreg.scid  }
0x8b: {  	s0 =	sand.u32 $0x1, s1  }
0x8c: {  	s16 =	sshll.u32 s0, $0xA;
	s2 =	sadd.s32 s3, s2  }
0x8d: {  	s2 =	sadd.s32 s2, s16  }
0x8e: {  	[smem:$0x3FBD] =	sst s2  }
0x8f: {  	_ = 	snop  }
0x90: {  	(tm) =	ssettm $0x1  }
0x91: {  	s17 =	sld [smem:$0x3FFB];
	_ =	sdelay $0x3  }
0x92: {  	_ =	strace s17  }
0x93: {  	s2 =	sld [smem:$0x3FFC];
	_ =	sdelay $0x3  }
0x94: {  	_ =	strace s2  }
0x95: {  	s2 =	sld [smem:$0x3FFD];
	_ =	sdelay $0x3  }
0x96: {  	_ =	strace s2  }
0x97: {  	_ =	strace $0x8FFFFFFF  }
0x98: {  	s18 =	sld [smem:$0x3FDB];
	_ =	sdelay $0x1  }
0x99: {  	s19 =	simm.s32 $_scs_section_size  }
0x9a: {  	s4 =	simm.s32 $_size__tile_overlayer_lowered;
	s5 =	simm.s32 $_tile_overlayer_lowered  }
0x9b: {  	s22 =	simm.s32 $0x1BFF;
	s21 =	sshll.u32 s5, $0x1;
	s2 =	sadd.s32 s19, s18  }
0x9c: {  	s6 =	simm.s32 $0x0;
	s20 =	sshll.u32 s4, $0x1;
	s4 =	sadd.s32 s21, s2  }
0x9d: {  	[timem:s6], [sflag:s22] =	dma.local [hbm:s4], s20  }
0x9e: {  	_ =	swait.ge [sflag:s22], s20  }
0x9f: {  	s3 =	ssub.s32 $0x0, s20;
	[sflag:s22] =	ssyncset.done $0x0  }
0xa0: {  	[sflag:s22] =	ssyncadd.s32 s3;
	_ =	sdelay $0x1  }
0xa1: {  	s23 =	simm.s32 $0x1B8B  }
0xa2: {  	_ =	swait.ge [sflag:s23], $0x1  }
0xa3: {  	[sflag:s23] =	ssyncset.done $0x0  }
0xa4: {  	s25 =	simm.s32 $0x1B8E;
	s24 =	sld [smem:$0x3FFE];
	[sflag:s23] =	ssyncadd.s32 $0xFFFFFFFF  }
0xa5: {  	s26 =	simm.s32 $execute0_lowered;
	[smem:$0x3FD2] =	sst s25  }
0xa6: {  	s4 =	sshll.u32 s26, $0x1;
	_ =	strace $0x8000004C;
	[dreg:$0x1] =	wrdreg $0xFFFFFFFF  }
0xa7: {  	s28 =	simm.s32 $_size_execute0_lowered;
	s2 =	sadd.s32 s2, s4;
	[dreg:$0x0] =	wrdreg $0x0  }
0xa8: {  	s4 =	sshll.u32 s28, $0x1;
	[dreg:$0x2] =	wrdreg s2  }
0xa9: {  	[dreg:$0x3] =	wrdreg s4  }
0xaa: {  	[dreg:$0x4] =	wrdreg $0xC0  }
0xab: {  	_ =	task [dreg:s6], $0x5FFFF  }
0xac: {  	[dreg:$0x1] =	wrdreg $0xFFFFFFFF  }
0xad: {  	[dreg:$0x0] =	wrdreg $0x60  }
0xae: {  	[dreg:$0x2] =	wrdreg s24  }
0xaf: {  	[dreg:$0x3] =	wrdreg $0x82000  }
0xb0: {  	[dreg:$0x4] =	wrdreg $0x9  }
0xb1: {  	_ =	task.clear_ibuf [dreg:s6], $0x5FFFF;
	_ =	strace $0x9000004C  }
0xb2: {  	s29 =	simm.s32 $0x9;
	_ =	strace $0x8000004E  }
0xb3: {  	_ =	swait.ge [sflag:s29], $0x1  }
0xb4: {  	[sflag:s29] =	ssyncadd.s32 $0xFFFFFFFF  }
0xb5: {  	_ =	strace $0x9000004E  }
0xb6: {  	_ =	sfence  }
0xb7: {  	s30 =	sld [smem:$0x0];
	_ =	sdelay $0x2  }
0xb8: {  	s31 =	sshll.u32 s1, $0xD;
	s1 =	sshrl.u32 s1, $0x2  }
0xb9: {  	s3 =	sand.u32 $0x4000, s31;
	s1 =	sadd.s32 s1, s30  }
0xba: {  	s0 =	sor.u32 s3, s0;
	s1 =	sshll.u32 s1, $0x11  }
0xbb: {  	s0 =	sor.u32 s1, s0  }
0xbc: {  	s0 =	sadd.s32 $0x8F2B, s0  }
0xbd: {  	[sflag:s0] =	ssyncadd.remote.s32 $0x1  }
0xbe: {  	_ =	sfence.sel $0xFFFF  }
0xbf: {  	[dreg:$0x0] =	wrdreg $0xFFFFFFFF;
	(pc) =	sbr.abs _section_cstart, $3  }
0xc0: {  	[dreg:$0x1] =	wrdreg $0xFFFFFFFF  }
0xc1: {  	_ =	task.clear_ibuf [dreg:s6], $0x2FFFF;
	_ =	strace $0x9FFFFFFF  }
0xc2: {  	(tm) =	ssettm $0x7FFFFFFF  }
0xc3: {  	_ =	shalt  }
tec
execute0_lowered:
.L_overlay_start_1:
0x0: {  	(tag) =	ssettag $0x1  }
0x1: {  	s11 =	rddreg [dreg:$0x0]  }
0x2: {  	s1 =	rddreg [dreg:$0x1]  }
0x3: {  	s0 =	rddreg [dreg:$0x2];
	s2 =	simm.s32 $0x0;
	s3 =	srdreg.scid  }
0x4: {  	s17 =	simm.s32 $0x1;
	s18 =	simm.s32 $0x2;
	s19 =	simm.s32 $0x200  }
0x5: {  	s20 =	simm.s32 $0x3;
	s21 =	simm.s32 $0x4;
	s22 =	simm.s32 $0x4200  }
0x6: {  	s23 =	simm.s32 $0x5;
	s26 =	simm.s32 $0x0;
	[smem:$0x7FF] =	sst s2  }
0x7: {  	s9 =	sand.u32 $0x1, s3;
	s8 =	sadd.s32 $0x2E00, s11;
	s3 =	stileid.u32  }
0x8: {  	s10 =	sadd.s32 $0xCE00, s11;
	s4 =	sadd.s32 $0x16E00, s11;
	s5 =	smul.u32 $0x28000, s9  }
0x9: {  	_ =	strace $0x8000004D;
	s6 =	ssub.s32 $0x2, s9;
	s7 =	smul.u32 $0x50000, s3  }
0xa: {  	s13 =	sshll.u32 s3, $0x6;
	s14 =	smul.u32 $0xA00, s3;
	p0 =	seq.s32 s9, $0x0  }
0xb: {  	s25 =	smul.u32 $0x2800, s3;
	s30 =	sshrl.u32 s6, $0x1;
	s12 =	sadd.s32 s5, s11  }
0xc: {  	s7 =	sshrl.u32 s7, $0x2;
	s15 =	ssub.s32 s6, s30;
	s5 =	sor.u32 $0x1C07, s13  }
0xd: {  	s6 =	sadd.s32 s8, s14;
	s31 =	sor.u32 $0x10, s14;
	s13 =	simm.s32 $0x7  }
0xe: {  	s16 =	sadd.s32 s7, s1;
	s7 =	sadd.s32 s10, s14;
	s8 =	sadd.s32 s8, s31  }
0xf: {  	s14 =	simm.s32 $0x19600;
	s9 =	sadd.s32 s10, s31;
	s24 =	sadd.s32 $0x67A00, s12  }
0x10: {  	s10 =	smax.u32 s15, $0x1;
	s15 =	simm.s32 $0x100;
	s14 =	simm.s32 @!p0 $0x40800  }
0x11: {  	s12 =	sshrl.u32 s16, $0x3;
	s16 =	simm.s32 $0x180;
	s24 =	sadd.s32 s25, s24  }
0x12: {  	s25 =	simm.s32 $0x6;
	s11 =	sadd.s32 s14, s11;
	s14 =	simm.s32 $0x80  }
.LBB2_1:
0x13: {  	[spmem:s12], [sflag:s5] =	dma.local [hbm:s4], $0x2800  }
0x14: {  	_ =	swait.ge [sflag:s13], $0x2800  }
0x15: {  	[sflag:s13] =	ssyncset.done $0x0  }
0x16: {  	[sflag:s13] =	ssyncadd.s32 $0xFFFFD800  }
0x17: {  	[bflag:$0x0] =	sbarrier.arrive $0xFFFF  }
0x18: {  	[tilespmem:s2], [sflag:$0x1] =	stream.linear.gather [hbm4b:s6+s2], $0x80, $0x38;
	[tilespmem:$0x1C200] =	vst v63  }
0x19: {  	_ = 	snop  }
0x1a: {  	[tilespmem:s14], [sflag:$0x2] =	stream.linear.gather [hbm4b:s7+s2], $0x80, $0x38;
	[tilespmem:$0x1C200] =	vst v63  }
0x1b: {  	_ = 	snop  }
0x1c: {  	[tilespmem:s15], [sflag:$0x3] =	stream.linear.gather [hbm4b:s8+s2], $0x80, $0x38;
	[tilespmem:$0x1C200] =	vst v63  }
0x1d: {  	_ = 	snop  }
0x1e: {  	[tilespmem:s16], [sflag:$0x4] =	stream.linear.gather [hbm4b:s9+s2], $0x80, $0x38;
	[tilespmem:$0x1C200] =	vst v63  }
0x1f: {  	_ =	swait.ge [sflag:s17], $0x80  }
0x20: {  	[sflag:s17] =	ssyncset.done $0x0  }
0x21: {  	[sflag:s17] =	ssyncadd.s32 $0xFFFFFF80  }
0x22: {  	_ =	swait.ge [sflag:s18], $0x80  }
0x23: {  	[sflag:s18] =	ssyncset.done $0x0  }
0x24: {  	[sflag:s18] =	ssyncadd.s32 $0xFFFFFF80  }
0x25: {  	[tilespmem:s19], [sflag:$0x5] =	stream.indirect.gather [hbm4b:s11+s14], $0x80, s2, s14, $0xb8;
	[tilespmem:$0x1C200] =	vst v63  }
0x26: {  	_ =	swait.ge [sflag:s20], $0x80  }
0x27: {  	[sflag:s20] =	ssyncset.done $0x0  }
0x28: {  	[sflag:s20] =	ssyncadd.s32 $0xFFFFFF80  }
0x29: {  	_ =	swait.ge [sflag:s21], $0x80  }
0x2a: {  	[sflag:s21] =	ssyncset.done $0x0  }
0x2b: {  	[sflag:s21] =	ssyncadd.s32 $0xFFFFFF80  }
0x2c: {  	[tilespmem:s22], [sflag:$0x6] =	stream.indirect.gather [hbm4b:s11+s14], $0x80, s15, s14, $0xb8;
	[tilespmem:$0x1C200] =	vst v63  }
0x2d: {  	_ =	swait.ge [sflag:s23], $0x4000  }
0x2e: {  	[sflag:s23] =	ssyncset.done $0x0  }
0x2f: {  	[sflag:s23] =	ssyncadd.s32 $0xFFFFC000  }
0x30: {  	[spmem:s1] =	stream.indirect.scatter.add.f32 [tilespmem:s19], [sflag:$0x7], $0x80, s14, s14, $0xb8;
	[tilespmem:$0x1C200] =	vst v63  }
0x31: {  	_ =	swait.ge [sflag:s13], $0x4000  }
0x32: {  	s28 =	sadd.s32 $0xFFFFF620, s6;
	[sflag:s13] =	ssyncset.done $0x0  }
0x33: {  	s30 =	sadd.s32 $0xFFFFF620, s7;
	s29 =	sadd.s32 $0xA00, s28;
	[sflag:s13] =	ssyncadd.s32 $0xFFFFC000  }
0x34: {  	[tilespmem:s2], [sflag:$0x1] =	stream.linear.gather [hbm4b:s29+s2], $0x80, $0x38;
	[tilespmem:$0x1C200] =	vst v63  }
0x35: {  	s31 =	sadd.s32 $0xA00, s30  }
0x36: {  	[tilespmem:s14], [sflag:$0x2] =	stream.linear.gather [hbm4b:s31+s2], $0x80, $0x38;
	[tilespmem:$0x1C200] =	vst v63  }
0x37: {  	_ =	swait.ge [sflag:s25], $0x4000  }
0x38: {  	[sflag:s25] =	ssyncset.done $0x0  }
0x39: {  	[sflag:s25] =	ssyncadd.s32 $0xFFFFC000  }
0x3a: {  	[spmem:s1] =	stream.indirect.scatter.add.f32 [tilespmem:s22], [sflag:$0x7], $0x80, s16, s14, $0xb8;
	[tilespmem:$0x1C200] =	vst v63  }
0x3b: {  	_ =	swait.ge [sflag:s13], $0x4000  }
0x3c: {  	[sflag:s13] =	ssyncset.done $0x0  }
0x3d: {  	s28 =	sadd.s32 $0xA10, s28;
	[sflag:s13] =	ssyncadd.s32 $0xFFFFC000  }
0x3e: {  	[tilespmem:s15], [sflag:$0x3] =	stream.linear.gather [hbm4b:s28+s2], $0x80, $0x38;
	[tilespmem:$0x1C200] =	vst v63  }
0x3f: {  	s28 =	sadd.s32 $0xA10, s30  }
0x40: {  	[tilespmem:s16], [sflag:$0x4] =	stream.linear.gather [hbm4b:s28+s2], $0x80, $0x38;
	[tilespmem:$0x1C200] =	vst v63  }
0x41: {  	_ =	swait.ge [sflag:s17], $0x80  }
0x42: {  	[sflag:s17] =	ssyncset.done $0x0  }
0x43: {  	[sflag:s17] =	ssyncadd.s32 $0xFFFFFF80  }
0x44: {  	_ =	swait.ge [sflag:s18], $0x80  }
0x45: {  	[sflag:s18] =	ssyncset.done $0x0  }
0x46: {  	s28 =	simm.s32 $0xFFFFF640;
	[sflag:s18] =	ssyncadd.s32 $0xFFFFFF80  }
.LBB2_2:
0x47: {  	[tilespmem:s19], [sflag:$0x5] =	stream.indirect.gather [hbm4b:s11+s14], $0x80, s2, s14, $0xb8;
	[tilespmem:$0x1C200] =	vst v63  }
0x48: {  	s29 =	smov.u32 s28  }
0x49: {  	p0 =	sne.s32 s28, $0xFFFFFFE0;
	s28 =	sadd.s32 $0x20, s28;
	_ =	swait.ge [sflag:s20], $0x80  }
0x4a: {  	[sflag:s20] =	ssyncset.done $0x0  }
0x4b: {  	[sflag:s20] =	ssyncadd.s32 $0xFFFFFF80  }
0x4c: {  	_ =	swait.ge [sflag:s21], $0x80  }
0x4d: {  	[sflag:s21] =	ssyncset.done $0x0  }
0x4e: {  	[sflag:s21] =	ssyncadd.s32 $0xFFFFFF80  }
0x4f: {  	[tilespmem:s22], [sflag:$0x6] =	stream.indirect.gather [hbm4b:s11+s14], $0x80, s15, s14, $0xb8;
	[tilespmem:$0x1C200] =	vst v63  }
0x50: {  	_ =	swait.ge [sflag:s23], $0x4000  }
0x51: {  	[sflag:s23] =	ssyncset.done $0x0  }
0x52: {  	[sflag:s23] =	ssyncadd.s32 $0xFFFFC000  }
0x53: {  	[spmem:s1] =	stream.indirect.scatter.add.f32 [tilespmem:s19], [sflag:$0x7], $0x80, s14, s14, $0xb8;
	[tilespmem:$0x1C200] =	vst v63  }
0x54: {  	_ =	swait.ge [sflag:s13], $0x4000  }
0x55: {  	s30 =	sadd.s32 s29, s6;
	[sflag:s13] =	ssyncset.done $0x0  }
0x56: {  	s29 =	sadd.s32 s29, s7;
	s31 =	sadd.s32 $0xA00, s30;
	[sflag:s13] =	ssyncadd.s32 $0xFFFFC000  }
0x57: {  	[tilespmem:s2], [sflag:$0x1] =	stream.linear.gather [hbm4b:s31+s2], $0x80, $0x38;
	[tilespmem:$0x1C200] =	vst v63  }
0x58: {  	s31 =	sadd.s32 $0xA00, s29  }
0x59: {  	[tilespmem:s14], [sflag:$0x2] =	stream.linear.gather [hbm4b:s31+s2], $0x80, $0x38;
	[tilespmem:$0x1C200] =	vst v63  }
0x5a: {  	_ =	swait.ge [sflag:s25], $0x4000  }
0x5b: {  	[sflag:s25] =	ssyncset.done $0x0  }
0x5c: {  	[sflag:s25] =	ssyncadd.s32 $0xFFFFC000  }
0x5d: {  	[spmem:s1] =	stream.indirect.scatter.add.f32 [tilespmem:s22], [sflag:$0x7], $0x80, s16, s14, $0xb8;
	[tilespmem:$0x1C200] =	vst v63  }
0x5e: {  	_ =	swait.ge [sflag:s13], $0x4000  }
0x5f: {  	[sflag:s13] =	ssyncset.done $0x0  }
0x60: {  	s30 =	sadd.s32 $0xA10, s30;
	[sflag:s13] =	ssyncadd.s32 $0xFFFFC000  }
0x61: {  	[tilespmem:s15], [sflag:$0x3] =	stream.linear.gather [hbm4b:s30+s2], $0x80, $0x38;
	[tilespmem:$0x1C200] =	vst v63  }
0x62: {  	s29 =	sadd.s32 $0xA10, s29  }
0x63: {  	[tilespmem:s16], [sflag:$0x4] =	stream.linear.gather [hbm4b:s29+s2], $0x80, $0x38;
	[tilespmem:$0x1C200] =	vst v63  }
0x64: {  	_ =	swait.ge [sflag:s17], $0x80  }
.Ltmp0:
0x65: {  	[sflag:s17] =	ssyncset.done $0x0;
	(pc) =	sbr.rel @p0 .LBB2_2-.Ltmp0, $4  }
0x66: {  	[sflag:s17] =	ssyncadd.s32 $0xFFFFFF80  }
0x67: {  	_ =	swait.ge [sflag:s18], $0x80  }
0x68: {  	[sflag:s18] =	ssyncset.done $0x0  }
0x69: {  	[sflag:s18] =	ssyncadd.s32 $0xFFFFFF80  }
0x6a: {  	[tilespmem:s19], [sflag:$0x5] =	stream.indirect.gather [hbm4b:s11+s14], $0x80, s2, s14, $0xb8;
	[tilespmem:$0x1C200] =	vst v63  }
0x6b: {  	_ =	swait.ge [sflag:s20], $0x80  }
0x6c: {  	[sflag:s20] =	ssyncset.done $0x0  }
0x6d: {  	[sflag:s20] =	ssyncadd.s32 $0xFFFFFF80  }
0x6e: {  	_ =	swait.ge [sflag:s21], $0x80  }
0x6f: {  	[sflag:s21] =	ssyncset.done $0x0  }
0x70: {  	[sflag:s21] =	ssyncadd.s32 $0xFFFFFF80  }
0x71: {  	[tilespmem:s22], [sflag:$0x6] =	stream.indirect.gather [hbm4b:s11+s14], $0x80, s15, s14, $0xb8;
	[tilespmem:$0x1C200] =	vst v63  }
0x72: {  	_ =	swait.ge [sflag:s23], $0x4000  }
0x73: {  	[sflag:s23] =	ssyncset.done $0x0  }
0x74: {  	[sflag:s23] =	ssyncadd.s32 $0xFFFFC000  }
0x75: {  	[spmem:s1] =	stream.indirect.scatter.add.f32 [tilespmem:s19], [sflag:$0x7], $0x80, s14, s14, $0xb8;
	[tilespmem:$0x1C200] =	vst v63  }
0x76: {  	_ =	swait.ge [sflag:s13], $0x4000  }
0x77: {  	[sflag:s13] =	ssyncset.done $0x0  }
0x78: {  	[sflag:s13] =	ssyncadd.s32 $0xFFFFC000  }
0x79: {  	_ =	swait.ge [sflag:s25], $0x4000  }
0x7a: {  	[sflag:s25] =	ssyncset.done $0x0  }
0x7b: {  	[sflag:s25] =	ssyncadd.s32 $0xFFFFC000  }
0x7c: {  	[spmem:s1] =	stream.indirect.scatter.add.f32 [tilespmem:s22], [sflag:$0x7], $0x80, s16, s14, $0xb8;
	[tilespmem:$0x1C200] =	vst v63  }
0x7d: {  	_ =	swait.ge [sflag:s13], $0x4000  }
0x7e: {  	s26 =	sadd.s32 $0x1, s26;
	[sflag:s13] =	ssyncset.done $0x0  }
0x7f: {  	p0 =	sne.s32 s26, s10;
	[sflag:s13] =	ssyncadd.s32 $0xFFFFC000  }
.Ltmp1:
0x80: {  	[bflag:$0x0] =	sbarrier.arrive $0xFFFF;
	(pc) =	sbr.rel @p0 .LBB2_1-.Ltmp1, $4  }
0x81: {  	[hbm:s24], [sflag:s5] =	dma.local [spmem:s12], $0x2800  }
0x82: {  	_ =	swait.ge [sflag:s13], $0x2800  }
0x83: {  	[sflag:s13] =	ssyncset.done $0x0  }
0x84: {  	[sflag:s13] =	ssyncadd.s32 $0xFFFFD800  }
0x85: {  	_ =	sfence.sel $0x180000  }
0x86: {  	[bflag:$0x0] =	sbarrier.arrive $0xFFFF  }
0x87: {  	p0 =	sne.s32 s3, $0x0;
	_ =	strace $0x9000004D  }
0x88: {  	s0 =	sadd.s32 @!p0 $0x100000, s0;
	[bflag:$0x2] =	sbarrier.arrive $0xFFFF  }
0x89: {  	[sflag:s0] =	ssyncadd.tile.s32 @!p0 $0x1;
	_ =	shalt  }
.Lfunc_end2:
_tile_overlayer_lowered:
.L_overlay_start_2:
0x8a: {  	(tag) =	ssettag $0x2  }
0x8b: {  	s0 =	rddreg [dreg:$0x0];
	s2 =	stileid.u32  }
0x8c: {  	s1 =	rddreg [dreg:$0x1];
	p0 =	sne.s32 s2, $0x0  }
0x8d: {  	s3 =	rddreg [dreg:$0x2];
	[bflag:$0x3] =	sbarrier.arrive $0xFFFF;
	s2 =	simm.s32 @!p0 $0x1C07  }
0x8e: {  	[timem:s3], [sflag:s2] =	dma.local @!p0 [hbm:s0], s1  }
0x8f: {  	s0 =	simm.s32 @!p0 $0x7  }
0x90: {  	_ =	swait.ge @!p0 [sflag:s0], s1  }
0x91: {  	s1 =	ssub.s32 @!p0 $0x0, s1;
	[sflag:s0] =	ssyncset.done @!p0 $0x0  }
0x92: {  	[sflag:s0] =	ssyncadd.s32 @!p0 s1  }
0x93: {  	[bflag:$0x3] =	sbarrier.arrive $0xFFFF  }
0x94: {  	_ =	shalt  }

// kernel: kernel.8.cloned.1.call-start
scs
__scs_entry_jumppad:
0x0: {  	(pc) =	sbr.rel $0x88, $3  }
0x1: {  	(tag) =	ssettag $0x0;
	lr =	simm.s32 $0x1  }
0x2: {  	[smem:$0x3F96] =	sst lr;
	_ =	strace $0xD0000000  }
0x3: {  	_ = 	snop  }
0x4: {  	_ = 	snop  }
0x5: {  	_ = 	snop  }
0x6: {  	_ = 	snop  }
0x7: {  	_ = 	snop  }
__scs_overlays_trampoline_lowered:
0x8: {  	[smem:$0x3FA5] =	sst s0  }
0x9: {  	[smem:$0x3FA6] =	sst s1  }
0xa: {  	[smem:$0x3FA7] =	sst s2  }
0xb: {  	[smem:$0x3FA8] =	sst s3  }
0xc: {  	[smem:$0x3FA9] =	sst s4  }
0xd: {  	[smem:$0x3FAA] =	sst s5  }
0xe: {  	[smem:$0x3FAB] =	sst s6  }
0xf: {  	[smem:$0x3FAC] =	sst s7  }
0x10: {  	[smem:$0x3FAD] =	sst s8  }
0x11: {  	[smem:$0x3FAE] =	sst s9;
	s0 =	simm.s32 @!p0 $0x0  }
0x12: {  	s1 =	sld [smem:$0x3F94];
	s0 =	simm.s32 @p0 $0x1  }
0x13: {  	[smem:$0x3FAF] =	sst s0;
	s0 =	simm.s32 @!p1 $0x0  }
0x14: {  	s2 =	sld [smem:$0x3F93];
	s0 =	simm.s32 @p1 $0x1  }
0x15: {  	[smem:$0x3FB0] =	sst s0;
	s0 =	simm.s32 @!p2 $0x0  }
0x16: {  	s3 =	sld [smem:$0x3FDB];
	s0 =	simm.s32 @p2 $0x1  }
0x17: {  	s4 =	simm.s32 $0x1BF5;
	[smem:$0x3FB2] =	sst s0  }
0x18: {  	s0 =	sld [smem:$0x3F95];
	_ =	swait.ge [sflag:s4], $0x0  }
0x19: {  	s7 =	sld [smem:$0x3F96]  }
0x1a: {  	s8 =	sadd.s32 $0xFFFFE003, lr  }
0x1b: {  	s9 =	sadd.s32 $0xFFFFFEF7, lr;
	s5 =	simm.s32 $0xFFFFFFFF;
	p2 =	slt.u32 s8, $0xFFFFF086  }
0x1c: {  	p1 =	slt.u32 s9, $0xF7A;
	s5 =	simm.s32 @!p2 $0x0  }
0x1d: {  	s5 =	simm.s32 @p1 $0x1;
	p0 =	seq.s32 s7, s2  }
0x1e: {  	s7 =	smul.u32 @!p0 $0xF7A, s2;
	p2 =	seq.s32 @!p0 s5, $0x0  }
0x1f: {  	s9 =	smul.u32 $0xF7A, s1;
	s8 =	simm.s32 @!p0 $0x1BF5;
	p2 =	por !p2, p0  }
0x20: {  	[sflag:s8] =	ssyncset.s32 @!p0 $0xFFFFF086;
	s6 =	sadd.s32 @!p0 s3, s7;
	s7 =	simm.s32 @!p0 $0x108  }
0x21: {  	s3 =	sadd.s32 s3, s9;
	s6 =	sadd.s32 @!p0 $0x88, s6;
	s7 =	simm.s32 @p2 $0x1082  }
0x22: {  	[simem:s7], [sflag:s8] =	dma.local @!p0 [hbm:s6], $0xF7A  }
0x23: {  	s9 =	sor.u32 $0xD0000000, s2;
	s6 =	simm.s32 $0x108;
	_ =	swait.ge @!p0 [sflag:s8], $0x0  }
0x24: {  	s3 =	sadd.s32 $0x88, s3;
	s6 =	simm.s32 @!p1 $0x1082;
	[sflag:s4] =	ssyncset.s32 $0xFFFFF086  }
0x25: {  	[simem:s6], [sflag:s4] =	dma.local [hbm:s3], $0xF7A  }
0x26: {  	[smem:$0x3F96] =	sst s1;
	(tag) =	ssettag s2;
	_ =	strace s9  }
0x27: {  	s1 =	sld [smem:$0x3FA6]  }
0x28: {  	s2 =	sld [smem:$0x3FA7]  }
0x29: {  	s4 =	sld [smem:$0x3FA9]  }
0x2a: {  	p0 =	seq.s32 s5, $0x0;
	s5 =	sld [smem:$0x3FAA]  }
0x2b: {  	s6 =	sld [smem:$0x3FAB]  }
0x2c: {  	s7 =	sld [smem:$0x3FAC]  }
0x2d: {  	s3 =	simm.s32 $0x108;
	s8 =	sld [smem:$0x3FAD]  }
0x2e: {  	s3 =	simm.s32 @!p0 $0x1082;
	s9 =	sld [smem:$0x3FAE]  }
0x2f: {  	lr =	sadd.s32 s0, s3;
	s0 =	sld [smem:$0x3FA5]  }
0x30: {  	s3 =	sld [smem:$0x3FA8]  }
0x31: {  	[smem:$0x3FB1] =	sst s10  }
0x32: {  	s10 =	sld [smem:$0x3FAF];
	_ =	sdelay $0x3  }
0x33: {  	p0 =	seq.s32 s10, $0x1;
	s10 =	sld [smem:$0x3FB1];
	_ =	sdelay $0x3  }
0x34: {  	[smem:$0x3FB1] =	sst s10  }
0x35: {  	s10 =	sld [smem:$0x3FB0];
	_ =	sdelay $0x3  }
0x36: {  	p1 =	seq.s32 s10, $0x1;
	s10 =	sld [smem:$0x3FB1];
	_ =	sdelay $0x3  }
0x37: {  	[smem:$0x3FB1] =	sst s10  }
0x38: {  	s10 =	sld [smem:$0x3FB2]  }
0x39: {  	_ = 	snop;
	(pc) =	sbr.ind lr, $3  }
0x3a: {  	_ = 	snop  }
0x3b: {  	_ = 	snop  }
0x3c: {  	p2 =	seq.s32 s10, $0x1;
	s10 =	sld [smem:$0x3FB1]  }
0x3d: {  	_ =	shalt  }
0x3e: {  	_ =	shalt  }
0x3f: {  	_ =	shalt  }
0x40: {  	_ =	shalt  }
0x41: {  	_ =	shalt  }
0x42: {  	_ =	shalt  }
0x43: {  	_ =	shalt  }
0x44: {  	_ =	shalt  }
0x45: {  	_ =	shalt  }
0x46: {  	_ =	shalt  }
0x47: {  	_ =	shalt  }
0x48: {  	_ =	shalt  }
0x49: {  	_ =	shalt  }
0x4a: {  	_ =	shalt  }
0x4b: {  	_ =	shalt  }
0x4c: {  	_ =	shalt  }
0x4d: {  	_ =	shalt  }
0x4e: {  	_ =	shalt  }
0x4f: {  	_ =	shalt  }
0x50: {  	_ =	shalt  }
0x51: {  	_ =	shalt  }
0x52: {  	_ =	shalt  }
0x53: {  	_ =	shalt  }
0x54: {  	_ =	shalt  }
0x55: {  	_ =	shalt  }
0x56: {  	_ =	shalt  }
0x57: {  	_ =	shalt  }
0x58: {  	_ =	shalt  }
0x59: {  	_ =	shalt  }
0x5a: {  	_ =	shalt  }
0x5b: {  	_ =	shalt  }
0x5c: {  	_ =	shalt  }
0x5d: {  	_ =	shalt  }
0x5e: {  	_ =	shalt  }
0x5f: {  	_ =	shalt  }
0x60: {  	_ =	shalt  }
0x61: {  	_ =	shalt  }
0x62: {  	_ =	shalt  }
0x63: {  	_ =	shalt  }
0x64: {  	_ =	shalt  }
0x65: {  	_ =	shalt  }
0x66: {  	_ =	shalt  }
0x67: {  	_ =	shalt  }
0x68: {  	_ =	shalt  }
0x69: {  	_ =	shalt  }
0x6a: {  	_ =	shalt  }
0x6b: {  	_ =	shalt  }
0x6c: {  	_ =	shalt  }
0x6d: {  	_ =	shalt  }
0x6e: {  	_ =	shalt  }
0x6f: {  	_ =	shalt  }
0x70: {  	_ =	shalt  }
0x71: {  	_ =	shalt  }
0x72: {  	_ =	shalt  }
0x73: {  	_ =	shalt  }
0x74: {  	_ =	shalt  }
0x75: {  	_ =	shalt  }
0x76: {  	_ =	shalt  }
0x77: {  	_ =	shalt  }
0x78: {  	_ =	shalt  }
0x79: {  	_ =	shalt  }
0x7a: {  	_ =	shalt  }
0x7b: {  	_ =	shalt  }
0x7c: {  	_ =	shalt  }
0x7d: {  	_ =	shalt  }
0x7e: {  	_ =	shalt  }
0x7f: {  	_ =	shalt  }
0x80: {  	_ =	shalt  }
0x81: {  	_ =	shalt  }
0x82: {  	_ =	shalt  }
0x83: {  	_ =	shalt  }
0x84: {  	_ =	shalt  }
0x85: {  	_ =	shalt  }
0x86: {  	_ =	shalt  }
0x87: {  	_ =	shalt  }
.Lfunc_end0:
.L_simem_size_0:
called_computation_lowered:
.L_overlay_start_0:
0x88: {  	s2 =	sld [smem:$0x3FD9]  }
0x89: {  	s3 =	sld [smem:$0x3FFE];
	_ =	sdelay $0x1  }
0x8a: {  	s1 =	srdreg.scid  }
0x8b: {  	s0 =	sand.u32 $0x1, s1  }
0x8c: {  	s16 =	sshll.u32 s0, $0xA;
	s2 =	sadd.s32 s3, s2  }
0x8d: {  	s2 =	sadd.s32 s2, s16  }
0x8e: {  	[smem:$0x3FBD] =	sst s2  }
0x8f: {  	_ = 	snop  }
0x90: {  	(tm) =	ssettm $0x1  }
0x91: {  	s17 =	sld [smem:$0x3FFB];
	_ =	sdelay $0x3  }
0x92: {  	_ =	strace s17  }
0x93: {  	s2 =	sld [smem:$0x3FFC];
	_ =	sdelay $0x3  }
0x94: {  	_ =	strace s2  }
0x95: {  	s2 =	sld [smem:$0x3FFD];
	_ =	sdelay $0x3  }
0x96: {  	_ =	strace s2  }
0x97: {  	_ =	strace $0x8FFFFFFF  }
0x98: {  	s18 =	sld [smem:$0x3FDB];
	_ =	sdelay $0x1  }
0x99: {  	s19 =	simm.s32 $_scs_section_size  }
0x9a: {  	s4 =	simm.s32 $_size__tile_overlayer_lowered;
	s5 =	simm.s32 $_tile_overlayer_lowered  }
0x9b: {  	s22 =	simm.s32 $0x1BFF;
	s21 =	sshll.u32 s5, $0x1;
	s2 =	sadd.s32 s19, s18  }
0x9c: {  	s6 =	simm.s32 $0x0;
	s20 =	sshll.u32 s4, $0x1;
	s4 =	sadd.s32 s21, s2  }
0x9d: {  	[timem:s6], [sflag:s22] =	dma.local [hbm:s4], s20  }
0x9e: {  	_ =	swait.ge [sflag:s22], s20  }
0x9f: {  	s3 =	ssub.s32 $0x0, s20;
	[sflag:s22] =	ssyncset.done $0x0  }
0xa0: {  	[sflag:s22] =	ssyncadd.s32 s3;
	_ =	sdelay $0x1  }
0xa1: {  	s23 =	simm.s32 $0x1B8B  }
0xa2: {  	_ =	swait.ge [sflag:s23], $0x1  }
0xa3: {  	[sflag:s23] =	ssyncset.done $0x0  }
0xa4: {  	s25 =	simm.s32 $0x1B8E;
	s24 =	sld [smem:$0x3FFE];
	[sflag:s23] =	ssyncadd.s32 $0xFFFFFFFF  }
0xa5: {  	s26 =	simm.s32 $execute0_lowered;
	[smem:$0x3FD2] =	sst s25  }
0xa6: {  	s4 =	sshll.u32 s26, $0x1;
	_ =	strace $0x80000046;
	[dreg:$0x1] =	wrdreg $0xFFFFFFFF  }
0xa7: {  	s28 =	simm.s32 $_size_execute0_lowered;
	s2 =	sadd.s32 s2, s4;
	[dreg:$0x0] =	wrdreg $0x0  }
0xa8: {  	s4 =	sshll.u32 s28, $0x1;
	[dreg:$0x2] =	wrdreg s2  }
0xa9: {  	[dreg:$0x3] =	wrdreg s4  }
0xaa: {  	[dreg:$0x4] =	wrdreg $0xC0  }
0xab: {  	_ =	task [dreg:s6], $0x5FFFF  }
0xac: {  	[dreg:$0x1] =	wrdreg $0xFFFFFFFF  }
0xad: {  	[dreg:$0x0] =	wrdreg $0x60  }
0xae: {  	[dreg:$0x2] =	wrdreg s24  }
0xaf: {  	[dreg:$0x3] =	wrdreg $0x82000  }
0xb0: {  	[dreg:$0x4] =	wrdreg $0x9  }
0xb1: {  	_ =	task.clear_ibuf [dreg:s6], $0x5FFFF;
	_ =	strace $0x90000046  }
0xb2: {  	s29 =	simm.s32 $0x9;
	_ =	strace $0x80000048  }
0xb3: {  	_ =	swait.ge [sflag:s29], $0x1  }
0xb4: {  	[sflag:s29] =	ssyncadd.s32 $0xFFFFFFFF  }
0xb5: {  	_ =	strace $0x90000048  }
0xb6: {  	_ =	sfence  }
0xb7: {  	s30 =	sld [smem:$0x0];
	_ =	sdelay $0x2  }
0xb8: {  	s31 =	sshll.u32 s1, $0xD;
	s1 =	sshrl.u32 s1, $0x2  }
0xb9: {  	s3 =	sand.u32 $0x4000, s31;
	s1 =	sadd.s32 s1, s30  }
0xba: {  	s0 =	sor.u32 s3, s0;
	s1 =	sshll.u32 s1, $0x11  }
0xbb: {  	s0 =	sor.u32 s1, s0  }
0xbc: {  	s0 =	sadd.s32 $0x8F2B, s0  }
0xbd: {  	[sflag:s0] =	ssyncadd.remote.s32 $0x1  }
0xbe: {  	_ =	sfence.sel $0xFFFF  }
0xbf: {  	[dreg:$0x0] =	wrdreg $0xFFFFFFFF;
	(pc) =	sbr.abs _section_cstart, $3  }
0xc0: {  	[dreg:$0x1] =	wrdreg $0xFFFFFFFF  }
0xc1: {  	_ =	task.clear_ibuf [dreg:s6], $0x2FFFF;
	_ =	strace $0x9FFFFFFF  }
0xc2: {  	(tm) =	ssettm $0x7FFFFFFF  }
0xc3: {  	_ =	shalt  }
tec
execute0_lowered:
.L_overlay_start_1:
0x0: {  	(tag) =	ssettag $0x1  }
0x1: {  	s0 =	rddreg [dreg:$0x0]  }
0x2: {  	s1 =	rddreg [dreg:$0x1];
	s2 =	simm.s32 $0x0  }
0x3: {  	s4 =	srdreg.scid;
	s21 =	stileid.u32;
	s19 =	simm.s32 $0x100  }
0x4: {  	s20 =	simm.s32 $0x180;
	s28 =	simm.s32 $0x4200;
	s29 =	simm.s32 $0x5  }
0x5: {  	s30 =	simm.s32 $0x6;
	s31 =	simm.s32 $0x0;
	[smem:$0x7FF] =	sst s2  }
0x6: {  	s3 =	sadd.s32 $0x19600, s0;
	s14 =	sadd.s32 $0x2E00, s0;
	s15 =	sadd.s32 $0xCE00, s0  }
0x7: {  	s5 =	sadd.s32 $0x16E00, s0;
	s6 =	sand.u32 $0x1, s4;
	s10 =	smul.u32 $0x50000, s21  }
0x8: {  	s25 =	sshll.u32 s21, $0x6;
	s12 =	smul.u32 $0x50, s21;
	_ =	strace $0x80000047  }
0x9: {  	[dreg:$0x3] =	wrdreg s5;
	s7 =	smul.u32 $0x28000, s6;
	s8 =	sshll.u32 s6, $0x4  }
0xa: {  	s9 =	ssub.s32 $0x2, s6;
	s24 =	smul.u32 $0x500, s6;
	s6 =	sor.u32 $0x1C07, s25  }
0xb: {  	s25 =	simm.s32 $0x3;
	s8 =	sor.u32 s21, s8;
	s22 =	sshrl.u32 s9, $0x1  }
0xc: {  	s23 =	sshrl.u32 s10, $0x2;
	s0 =	sadd.s32 s7, s0;
	s8 =	smul.u32 $0x500, s8  }
0xd: {  	s11 =	ssub.s32 s9, s22;
	s16 =	sadd.s32 s23, s1;
	s12 =	sadd.s32 s12, s24  }
0xe: {  	s24 =	smul.u32 $0x2800, s21;
	s21 =	simm.s32 $0x1;
	s22 =	simm.s32 $0x2  }
0xf: {  	s23 =	simm.s32 $0x200;
	s0 =	sadd.s32 $0x40800, s0;
	s26 =	sshll.u32 s12, $0x4  }
0x10: {  	s11 =	smax.u32 s11, $0x1;
	s16 =	sshrl.u32 s16, $0x3;
	s7 =	sadd.s32 s14, s8  }
0x11: {  	s13 =	sor.u32 $0x10, s8;
	s8 =	sadd.s32 s15, s8;
	s12 =	sadd.s32 s26, s14  }
0x12: {  	s17 =	sadd.s32 s26, s15;
	s18 =	sor.u32 $0x20, s26;
	s24 =	sadd.s32 s24, s0  }
0x13: {  	s26 =	simm.s32 $0x4;
	s9 =	sadd.s32 s14, s13;
	s10 =	sadd.s32 s15, s13  }
0x14: {  	s12 =	sadd.s32 $0x30, s12;
	s13 =	sadd.s32 $0x30, s17;
	s14 =	sadd.s32 s18, s14  }
0x15: {  	s15 =	sadd.s32 s18, s15;
	s17 =	simm.s32 $0x7;
	s18 =	simm.s32 $0x80  }
.LBB2_1:
0x16: {  	s0 =	rddreg [dreg:$0x3]  }
0x17: {  	[spmem:s16], [sflag:s6] =	dma.local [hbm:s0], $0x2800  }
0x18: {  	_ =	swait.ge [sflag:s17], $0x2800  }
0x19: {  	[sflag:s17] =	ssyncset.done $0x0  }
0x1a: {  	[sflag:s17] =	ssyncadd.s32 $0xFFFFD800  }
0x1b: {  	[bflag:$0x0] =	sbarrier.arrive $0xFFFF  }
0x1c: {  	[tilespmem:s2], [sflag:$0x1] =	stream.linear.gather [hbm4b:s7+s2], $0x80, $0x38;
	[tilespmem:$0x1C200] =	vst v63  }
0x1d: {  	_ = 	snop  }
0x1e: {  	[tilespmem:s18], [sflag:$0x2] =	stream.linear.gather [hbm4b:s8+s2], $0x80, $0x38;
	[tilespmem:$0x1C200] =	vst v63  }
0x1f: {  	_ = 	snop  }
0x20: {  	[tilespmem:s19], [sflag:$0x3] =	stream.linear.gather [hbm4b:s9+s2], $0x80, $0x38;
	[tilespmem:$0x1C200] =	vst v63  }
0x21: {  	_ = 	snop  }
0x22: {  	[tilespmem:s20], [sflag:$0x4] =	stream.linear.gather [hbm4b:s10+s2], $0x80, $0x38;
	[tilespmem:$0x1C200] =	vst v63  }
0x23: {  	_ =	swait.ge [sflag:s21], $0x80  }
0x24: {  	[sflag:s21] =	ssyncset.done $0x0  }
0x25: {  	[sflag:s21] =	ssyncadd.s32 $0xFFFFFF80  }
0x26: {  	_ =	swait.ge [sflag:s22], $0x80  }
0x27: {  	[sflag:s22] =	ssyncset.done $0x0  }
0x28: {  	[sflag:s22] =	ssyncadd.s32 $0xFFFFFF80  }
0x29: {  	[tilespmem:s23], [sflag:$0x5] =	stream.indirect.gather [hbm4b:s3+s18], $0x80, s2, s18, $0xb8;
	[tilespmem:$0x1C200] =	vst v63  }
0x2a: {  	_ =	swait.ge [sflag:s25], $0x80  }
0x2b: {  	[sflag:s25] =	ssyncset.done $0x0  }
0x2c: {  	[sflag:s25] =	ssyncadd.s32 $0xFFFFFF80  }
0x2d: {  	_ =	swait.ge [sflag:s26], $0x80  }
0x2e: {  	[sflag:s26] =	ssyncset.done $0x0  }
0x2f: {  	[sflag:s26] =	ssyncadd.s32 $0xFFFFFF80  }
0x30: {  	[tilespmem:s28], [sflag:$0x6] =	stream.indirect.gather [hbm4b:s3+s18], $0x80, s19, s18, $0xb8;
	[tilespmem:$0x1C200] =	vst v63  }
0x31: {  	_ =	swait.ge [sflag:s29], $0x4000  }
0x32: {  	[sflag:s29] =	ssyncset.done $0x0  }
0x33: {  	[sflag:s29] =	ssyncadd.s32 $0xFFFFC000  }
0x34: {  	[spmem:s1] =	stream.indirect.scatter.add.f32 [tilespmem:s23], [sflag:$0x7], $0x80, s18, s18, $0xb8;
	[tilespmem:$0x1C200] =	vst v63  }
0x35: {  	_ =	swait.ge [sflag:s17], $0x4000  }
0x36: {  	[sflag:s17] =	ssyncset.done $0x0  }
0x37: {  	s4 =	sadd.s32 $0x0, s14;
	[sflag:s17] =	ssyncadd.s32 $0xFFFFC000  }
0x38: {  	[tilespmem:s2], [sflag:$0x1] =	stream.linear.gather [hbm4b:s4+s2], $0x80, $0x38;
	[tilespmem:$0x1C200] =	vst v63  }
0x39: {  	s5 =	sadd.s32 $0x0, s15  }
0x3a: {  	[tilespmem:s18], [sflag:$0x2] =	stream.linear.gather [hbm4b:s5+s2], $0x80, $0x38;
	[tilespmem:$0x1C200] =	vst v63  }
0x3b: {  	_ =	swait.ge [sflag:s30], $0x4000  }
0x3c: {  	[sflag:s30] =	ssyncset.done $0x0  }
0x3d: {  	[sflag:s30] =	ssyncadd.s32 $0xFFFFC000  }
0x3e: {  	[spmem:s1] =	stream.indirect.scatter.add.f32 [tilespmem:s28], [sflag:$0x7], $0x80, s20, s18, $0xb8;
	[tilespmem:$0x1C200] =	vst v63  }
0x3f: {  	_ =	swait.ge [sflag:s17], $0x4000  }
0x40: {  	[sflag:s17] =	ssyncset.done $0x0  }
0x41: {  	s4 =	sadd.s32 $0x0, s12;
	[sflag:s17] =	ssyncadd.s32 $0xFFFFC000  }
0x42: {  	[tilespmem:s19], [sflag:$0x3] =	stream.linear.gather [hbm4b:s4+s2], $0x80, $0x38;
	[tilespmem:$0x1C200] =	vst v63  }
0x43: {  	s5 =	sadd.s32 $0x0, s13  }
0x44: {  	[tilespmem:s20], [sflag:$0x4] =	stream.linear.gather [hbm4b:s5+s2], $0x80, $0x38;
	[tilespmem:$0x1C200] =	vst v63  }
0x45: {  	_ =	swait.ge [sflag:s21], $0x80  }
0x46: {  	[sflag:s21] =	ssyncset.done $0x0  }
0x47: {  	[sflag:s21] =	ssyncadd.s32 $0xFFFFFF80  }
0x48: {  	_ =	swait.ge [sflag:s22], $0x80  }
0x49: {  	[sflag:s22] =	ssyncset.done $0x0  }
0x4a: {  	s0 =	simm.s32 $0x20;
	[sflag:s22] =	ssyncadd.s32 $0xFFFFFF80  }
.LBB2_2:
0x4b: {  	[tilespmem:s23], [sflag:$0x5] =	stream.indirect.gather [hbm4b:s3+s18], $0x80, s2, s18, $0xb8;
	[tilespmem:$0x1C200] =	vst v63  }
0x4c: {  	s4 =	smov.u32 s0  }
0x4d: {  	p0 =	sne.s32 s0, $0x4C0;
	s0 =	sadd.s32 $0x20, s0;
	_ =	swait.ge [sflag:s25], $0x80  }
0x4e: {  	[sflag:s25] =	ssyncset.done $0x0  }
0x4f: {  	[sflag:s25] =	ssyncadd.s32 $0xFFFFFF80  }
0x50: {  	_ =	swait.ge [sflag:s26], $0x80  }
0x51: {  	[sflag:s26] =	ssyncset.done $0x0  }
0x52: {  	[sflag:s26] =	ssyncadd.s32 $0xFFFFFF80  }
0x53: {  	[tilespmem:s28], [sflag:$0x6] =	stream.indirect.gather [hbm4b:s3+s18], $0x80, s19, s18, $0xb8;
	[tilespmem:$0x1C200] =	vst v63  }
0x54: {  	_ =	swait.ge [sflag:s29], $0x4000  }
0x55: {  	[sflag:s29] =	ssyncset.done $0x0  }
0x56: {  	[sflag:s29] =	ssyncadd.s32 $0xFFFFC000  }
0x57: {  	[spmem:s1] =	stream.indirect.scatter.add.f32 [tilespmem:s23], [sflag:$0x7], $0x80, s18, s18, $0xb8;
	[tilespmem:$0x1C200] =	vst v63  }
0x58: {  	_ =	swait.ge [sflag:s17], $0x4000  }
0x59: {  	[sflag:s17] =	ssyncset.done $0x0  }
0x5a: {  	s5 =	sadd.s32 s4, s14;
	[sflag:s17] =	ssyncadd.s32 $0xFFFFC000  }
0x5b: {  	[tilespmem:s2], [sflag:$0x1] =	stream.linear.gather [hbm4b:s5+s2], $0x80, $0x38;
	[tilespmem:$0x1C200] =	vst v63  }
0x5c: {  	s5 =	sadd.s32 s4, s15  }
0x5d: {  	[tilespmem:s18], [sflag:$0x2] =	stream.linear.gather [hbm4b:s5+s2], $0x80, $0x38;
	[tilespmem:$0x1C200] =	vst v63  }
0x5e: {  	_ =	swait.ge [sflag:s30], $0x4000  }
0x5f: {  	[sflag:s30] =	ssyncset.done $0x0  }
0x60: {  	[sflag:s30] =	ssyncadd.s32 $0xFFFFC000  }
0x61: {  	[spmem:s1] =	stream.indirect.scatter.add.f32 [tilespmem:s28], [sflag:$0x7], $0x80, s20, s18, $0xb8;
	[tilespmem:$0x1C200] =	vst v63  }
0x62: {  	_ =	swait.ge [sflag:s17], $0x4000  }
0x63: {  	[sflag:s17] =	ssyncset.done $0x0  }
0x64: {  	s5 =	sadd.s32 s4, s12;
	[sflag:s17] =	ssyncadd.s32 $0xFFFFC000  }
0x65: {  	[tilespmem:s19], [sflag:$0x3] =	stream.linear.gather [hbm4b:s5+s2], $0x80, $0x38;
	[tilespmem:$0x1C200] =	vst v63  }
0x66: {  	s4 =	sadd.s32 s4, s13  }
0x67: {  	[tilespmem:s20], [sflag:$0x4] =	stream.linear.gather [hbm4b:s4+s2], $0x80, $0x38;
	[tilespmem:$0x1C200] =	vst v63  }
0x68: {  	_ =	swait.ge [sflag:s21], $0x80  }
.Ltmp0:
0x69: {  	[sflag:s21] =	ssyncset.done $0x0;
	(pc) =	sbr.rel @p0 .LBB2_2-.Ltmp0, $4  }
0x6a: {  	[sflag:s21] =	ssyncadd.s32 $0xFFFFFF80  }
0x6b: {  	_ =	swait.ge [sflag:s22], $0x80  }
0x6c: {  	[sflag:s22] =	ssyncset.done $0x0  }
0x6d: {  	[sflag:s22] =	ssyncadd.s32 $0xFFFFFF80  }
0x6e: {  	[tilespmem:s23], [sflag:$0x5] =	stream.indirect.gather [hbm4b:s3+s18], $0x80, s2, s18, $0xb8;
	[tilespmem:$0x1C200] =	vst v63  }
0x6f: {  	_ =	swait.ge [sflag:s25], $0x80  }
0x70: {  	[sflag:s25] =	ssyncset.done $0x0  }
0x71: {  	[sflag:s25] =	ssyncadd.s32 $0xFFFFFF80  }
0x72: {  	_ =	swait.ge [sflag:s26], $0x80  }
0x73: {  	[sflag:s26] =	ssyncset.done $0x0  }
0x74: {  	[sflag:s26] =	ssyncadd.s32 $0xFFFFFF80  }
0x75: {  	[tilespmem:s28], [sflag:$0x6] =	stream.indirect.gather [hbm4b:s3+s18], $0x80, s19, s18, $0xb8;
	[tilespmem:$0x1C200] =	vst v63  }
0x76: {  	_ =	swait.ge [sflag:s29], $0x4000  }
0x77: {  	[sflag:s29] =	ssyncset.done $0x0  }
0x78: {  	[sflag:s29] =	ssyncadd.s32 $0xFFFFC000  }
0x79: {  	[spmem:s1] =	stream.indirect.scatter.add.f32 [tilespmem:s23], [sflag:$0x7], $0x80, s18, s18, $0xb8;
	[tilespmem:$0x1C200] =	vst v63  }
0x7a: {  	_ =	swait.ge [sflag:s17], $0x4000  }
0x7b: {  	[sflag:s17] =	ssyncset.done $0x0  }
0x7c: {  	[sflag:s17] =	ssyncadd.s32 $0xFFFFC000  }
0x7d: {  	_ =	swait.ge [sflag:s30], $0x4000  }
0x7e: {  	[sflag:s30] =	ssyncset.done $0x0  }
0x7f: {  	[sflag:s30] =	ssyncadd.s32 $0xFFFFC000  }
0x80: {  	[spmem:s1] =	stream.indirect.scatter.add.f32 [tilespmem:s28], [sflag:$0x7], $0x80, s20, s18, $0xb8;
	[tilespmem:$0x1C200] =	vst v63  }
0x81: {  	_ =	swait.ge [sflag:s17], $0x4000  }
0x82: {  	s31 =	sadd.s32 $0x1, s31;
	[sflag:s17] =	ssyncset.done $0x0  }
0x83: {  	p0 =	sne.s32 s31, s11;
	[sflag:s17] =	ssyncadd.s32 $0xFFFFC000  }
.Ltmp1:
0x84: {  	[bflag:$0x0] =	sbarrier.arrive $0xFFFF;
	(pc) =	sbr.rel @p0 .LBB2_1-.Ltmp1, $4  }
0x85: {  	[hbm:s24], [sflag:s6] =	dma.local [spmem:s16], $0x2800  }
0x86: {  	_ =	swait.ge [sflag:s17], $0x2800  }
0x87: {  	[sflag:s17] =	ssyncset.done $0x0  }
0x88: {  	[sflag:s17] =	ssyncadd.s32 $0xFFFFD800  }
0x89: {  	_ =	sfence.sel $0x180000  }
0x8a: {  	[bflag:$0x0] =	sbarrier.arrive $0xFFFF  }
0x8b: {  	_ =	strace $0x90000047  }
0x8c: {  	s0 =	stileid.u32;
	[bflag:$0x2] =	sbarrier.arrive $0xFFFF  }
0x8d: {  	p0 =	sne.s32 s0, $0x0;
	s0 =	rddreg [dreg:$0x2]  }
0x8e: {  	s0 =	sadd.s32 @!p0 $0x100000, s0  }
0x8f: {  	[sflag:s0] =	ssyncadd.tile.s32 @!p0 $0x1;
	_ =	shalt  }
.Lfunc_end2:
_tile_overlayer_lowered:
.L_overlay_start_2:
0x90: {  	(tag) =	ssettag $0x2  }
0x91: {  	s0 =	rddreg [dreg:$0x0];
	s2 =	stileid.u32  }
0x92: {  	s1 =	rddreg [dreg:$0x1];
	p0 =	sne.s32 s2, $0x0  }
0x93: {  	s3 =	rddreg [dreg:$0x2];
	[bflag:$0x3] =	sbarrier.arrive $0xFFFF;
	s2 =	simm.s32 @!p0 $0x1C07  }
0x94: {  	[timem:s3], [sflag:s2] =	dma.local @!p0 [hbm:s0], s1  }
0x95: {  	s0 =	simm.s32 @!p0 $0x7  }
0x96: {  	_ =	swait.ge @!p0 [sflag:s0], s1  }
0x97: {  	s1 =	ssub.s32 @!p0 $0x0, s1;
	[sflag:s0] =	ssyncset.done @!p0 $0x0  }
0x98: {  	[sflag:s0] =	ssyncadd.s32 @!p0 s1  }
0x99: {  	[bflag:$0x3] =	sbarrier.arrive $0xFFFF  }
0x9a: {  	_ =	shalt  }

</sc_bundles>
